<compile_context>
chip_gen: v7x
topology: tpu7x:2x2x1
jax: 0.10.2.dev20260603
libtpu: 0.0.44.dev20260713+nightly
codegen_flags: <defaults>
</compile_context>

<pallas_src>
import functools

import jax
import jax.numpy as jnp
from jax import lax
from jax.experimental import pallas as pl
from jax.experimental.pallas import tpu as pltpu
from jax.experimental.pallas import tpu_sc as plsc

N = 10000
E = 160000
D_IN = 32
D_EDGE = 16
HID = 32

ET = 640
EGRID = E // ET

NC = 2
NS = 16
NW = NC * NS
EPW = E // NW
CHUNK = 128
NFULL = EPW // CHUNK
TAIL = EPW - NFULL * CHUNK
NPT = N // NS


def _edges_body(ea_ref, xj_ref, A1_ref, b1_ref, A2m_ref, B2_ref, R_ref, out_ref, *, ones_col):
    ea = ea_ref[...]
    xj = xj_ref[...]
    h = jnp.maximum(
        jnp.dot(ea, A1_ref[...], preferred_element_type=jnp.float32) + b1_ref[...],
        0.0)
    h_rep = jnp.dot(h, R_ref[...], preferred_element_type=jnp.float32)
    x_rep = jnp.tile(xj, (1, HID))
    z = h_rep * x_rep
    msg = jnp.dot(z, A2m_ref[...], preferred_element_type=jnp.float32)
    msg = msg + jnp.dot(xj, B2_ref[...], preferred_element_type=jnp.float32)
    if ones_col:
        pad = jnp.concatenate(
            [msg, jnp.ones((ET, 1), jnp.float32), jnp.zeros((ET, 15), jnp.float32)],
            axis=1)
        out_ref[...] = pad
    else:
        out_ref[...] = msg


def _edge_messages(edge_attr, xj, A1, b1, A2m, B2, R, ones_col):
    width = HID + 16 if ones_col else HID
    return pl.pallas_call(
        functools.partial(_edges_body, ones_col=ones_col),
        grid=(EGRID,),
        in_specs=[
            pl.BlockSpec((ET, D_EDGE), lambda i: (i, 0)),
            pl.BlockSpec((ET, D_IN), lambda i: (i, 0)),
            pl.BlockSpec((D_EDGE, HID), lambda i: (0, 0)),
            pl.BlockSpec((1, HID), lambda i: (0, 0)),
            pl.BlockSpec((HID * D_IN, HID), lambda i: (0, 0)),
            pl.BlockSpec((D_IN, HID), lambda i: (0, 0)),
            pl.BlockSpec((HID, HID * D_IN), lambda i: (0, 0)),
        ],
        out_specs=pl.BlockSpec((ET, width), lambda i: (i, 0)),
        out_shape=jax.ShapeDtypeStruct((E, width), jnp.float32),
    )(edge_attr, xj, A1, b1, A2m, B2, R)


def _node1_body(part_ref, x_ref, root_ref, bias_ref, h_ref, cnt_ref):
    p = part_ref[0] + part_ref[1]
    cnt = p[:, HID:HID + 1]
    denom = jnp.maximum(cnt, 1.0)
    agg = p[:, :HID] / denom
    r = jnp.dot(x_ref[...], root_ref[...], preferred_element_type=jnp.float32)
    h_ref[...] = jnp.maximum(agg + r + bias_ref[...], 0.0)
    cnt_ref[...] = cnt


def _node2_body(part_ref, cnt_ref, h_ref, root_ref, bias_ref, Wo_ref, bo_ref, out_ref):
    p = part_ref[0] + part_ref[1]
    denom = jnp.maximum(cnt_ref[...], 1.0)
    agg = p / denom
    r = jnp.dot(h_ref[...], root_ref[...], preferred_element_type=jnp.float32)
    h2 = jnp.maximum(agg + r + bias_ref[...], 0.0)
    logit = jnp.dot(h2, Wo_ref[...], preferred_element_type=jnp.float32) + bo_ref[...]
    out_ref[...] = jax.nn.sigmoid(logit)


def _node1(partial, x, root1, bias1):
    return pl.pallas_call(
        _node1_body,
        out_shape=(jax.ShapeDtypeStruct((N, HID), jnp.float32),
                   jax.ShapeDtypeStruct((N, 1), jnp.float32)),
    )(partial, x, root1, bias1)


def _node2(partial, cnt, h, root2, bias2, Wo, bo):
    return pl.pallas_call(
        _node2_body,
        out_shape=jax.ShapeDtypeStruct((N, 1), jnp.float32),
    )(partial, cnt, h, root2, bias2, Wo, bo)



def _sc_gather(table, idx):
    mesh = plsc.VectorSubcoreMesh(core_axis_name="c", subcore_axis_name="s")

    @functools.partial(
        pl.kernel, mesh=mesh,
        compiler_params=pltpu.CompilerParams(use_tc_tiling_on_sc=False),
        out_type=jax.ShapeDtypeStruct((E, D_IN), jnp.float32),
        scratch_types=[
            pltpu.VMEM((EPW,), jnp.int32),
            pltpu.VMEM((CHUNK, D_IN), jnp.float32),
            pltpu.VMEM((TAIL,), jnp.int32),
            pltpu.VMEM((TAIL, D_IN), jnp.float32),
            pltpu.SemaphoreType.DMA,
        ])
    def k(table_hbm, idx_hbm, out_hbm, idx_all, buf, idx_t, buf_t, sem):
        wid = lax.axis_index("s") * NC + lax.axis_index("c")
        base = wid * EPW
        pltpu.sync_copy(idx_hbm.at[pl.ds(base, EPW)], idx_all)

        def body(j, _):
            off = j * CHUNK
            pltpu.async_copy(
                table_hbm.at[idx_all.at[pl.ds(off, CHUNK)]], buf, sem).wait()
            pltpu.sync_copy(buf, out_hbm.at[pl.ds(base + off, CHUNK)])
            return 0

        lax.fori_loop(0, NFULL, body, 0)
        pltpu.sync_copy(idx_hbm.at[pl.ds(base + NFULL * CHUNK, TAIL)], idx_t)
        pltpu.async_copy(table_hbm.at[idx_t], buf_t, sem).wait()
        pltpu.sync_copy(buf_t, out_hbm.at[pl.ds(base + NFULL * CHUNK, TAIL)])

    return k(table, idx)


def _sc_scatter(msg, dst, zeros, width):
    mesh = plsc.VectorSubcoreMesh(core_axis_name="c", subcore_axis_name="s")

    @functools.partial(
        pl.kernel, mesh=mesh,
        compiler_params=pltpu.CompilerParams(use_tc_tiling_on_sc=False),
        out_type=jax.ShapeDtypeStruct((2 * N, width), jnp.float32),
        scratch_types=[
            pltpu.VMEM_SHARED((N, width), jnp.float32),
            pltpu.VMEM((CHUNK,), jnp.int32),
            pltpu.VMEM((CHUNK, width), jnp.float32),
            pltpu.VMEM((TAIL,), jnp.int32),
            pltpu.VMEM((TAIL, width), jnp.float32),
        ])
    def k(msg_hbm, dst_hbm, zeros_hbm, out_hbm, acc, idx_v, rows_v, idx_t, rows_t):
        cid = lax.axis_index("c")
        sid = lax.axis_index("s")
        wid = sid * NC + cid
        base = wid * EPW
        pltpu.sync_copy(zeros_hbm.at[pl.ds(sid * NPT, NPT)],
                        acc.at[pl.ds(sid * NPT, NPT)])
        plsc.subcore_barrier()

        def body(j, _):
            off = base + j * CHUNK
            pltpu.sync_copy(dst_hbm.at[pl.ds(off, CHUNK)], idx_v)
            pltpu.sync_copy(msg_hbm.at[pl.ds(off, CHUNK)], rows_v)
            pltpu.sync_copy(rows_v, acc.at[idx_v], add=True)
            return 0

        lax.fori_loop(0, NFULL, body, 0)
        off_t = base + NFULL * CHUNK
        pltpu.sync_copy(dst_hbm.at[pl.ds(off_t, TAIL)], idx_t)
        pltpu.sync_copy(msg_hbm.at[pl.ds(off_t, TAIL)], rows_t)
        pltpu.sync_copy(rows_t, acc.at[idx_t], add=True)
        plsc.subcore_barrier()
        pltpu.sync_copy(acc.at[pl.ds(sid * NPT, NPT)],
                        out_hbm.at[pl.ds(cid * N + sid * NPT, NPT)])

    return k(msg, dst, zeros)



def _gather_rows(table, idx):
    return jnp.take(table, idx, axis=0)


def _scatter_sum(rows, dst, width):
    s = jax.ops.segment_sum(rows, dst, num_segments=N)
    return jnp.stack([s, jnp.zeros_like(s)], axis=0)


def kernel(x, edge_index, edge_attr, A1, b1, A2, b2, root1, bias1, root2, bias2, Wo, bo):
    src = edge_index[0]
    dst = edge_index[1]
    A2m = A2.reshape(HID, D_IN, HID).reshape(HID * D_IN, HID)
    B2 = b2.reshape(D_IN, HID)
    R = jnp.repeat(jnp.eye(HID, dtype=jnp.float32), D_IN, axis=1)
    b1r = b1.reshape(1, HID)
    bias1r = bias1.reshape(1, HID)
    bias2r = bias2.reshape(1, HID)
    bor = bo.reshape(1, 1)

    zeros48 = jnp.zeros((N, HID + 16), jnp.float32)
    zeros32 = jnp.zeros((N, HID), jnp.float32)

    xj = _sc_gather(x, src)
    msg1 = _edge_messages(edge_attr, xj, A1, b1r, A2m, B2, R, True)
    part1 = _sc_scatter(msg1, dst, zeros48, HID + 16).reshape(2, N, HID + 16)
    h, cnt = _node1(part1, x, root1, bias1r)

    hj = _sc_gather(h, src)
    msg2 = _edge_messages(edge_attr, hj, A1, b1r, A2m, B2, R, False)
    part2 = _sc_scatter(msg2, dst, zeros32, HID).reshape(2, N, HID)
    out = _node2(part2, cnt, h, root2, bias2r, Wo, bor)
    return out

# --- scband reference (transcript-rebuilt; emitter-appended) ---
"""Pipeline reference for scband-gnnleak-detector-12266426597591 (READ-ONLY COPY).

The authoritative reference and input builder live on the scoring server;
editing this copy changes nothing except your own understanding.
"""

import jax, jax.numpy as jnp
import numpy as np

N = 10000
E = 160000
D_IN = 32
D_EDGE = 16
HID = 32

def setup_inputs(seed: int = 0):
    key = jax.random.key(seed)
    ks = jax.random.split(key, 12)
    inp = {}
    inp['x'] = jax.random.normal(ks[0], (N, D_IN), dtype=jnp.float32)
    inp['edge_index'] = jax.random.randint(ks[1], (2, E), 0, N, dtype=jnp.int32)
    inp['edge_attr'] = jax.random.normal(ks[2], (E, D_EDGE), dtype=jnp.float32)
    inp['A1'] = jax.random.normal(ks[3], (D_EDGE, HID), dtype=jnp.float32) / np.sqrt(D_EDGE)
    inp['b1'] = jnp.zeros((HID,), dtype=jnp.float32)
    inp['A2'] = jax.random.normal(ks[4], (HID, D_IN * HID), dtype=jnp.float32) / np.sqrt(HID)
    inp['b2'] = jnp.zeros((D_IN * HID,), dtype=jnp.float32)
    inp['root1'] = jax.random.normal(ks[5], (D_IN, HID), dtype=jnp.float32) / np.sqrt(D_IN)
    inp['bias1'] = jnp.zeros((HID,), dtype=jnp.float32)
    inp['root2'] = jax.random.normal(ks[6], (HID, HID), dtype=jnp.float32) / np.sqrt(HID)
    inp['bias2'] = jnp.zeros((HID,), dtype=jnp.float32)
    inp['Wo'] = jax.random.normal(ks[7], (HID, 1), dtype=jnp.float32) / np.sqrt(HID)
    inp['bo'] = jnp.zeros((1,), dtype=jnp.float32)
    return inp

def _nnconv(x, src, dst, W_e, root, bias):
    # PyG NNConv: out_i = mean_{j in N(i)} x_j @ W_e(e_ji) + x_i @ root + bias
    x_j = jnp.take(x, src, axis=0)                      # [E, in] gather
    msg = jnp.einsum('ei,eio->eo', x_j, W_e)            # per-edge matvec
    summed = jax.ops.segment_sum(msg, dst, num_segments=N)
    cnt = jax.ops.segment_sum(jnp.ones((dst.shape[0],), jnp.float32), dst, num_segments=N)
    agg = summed / jnp.maximum(cnt, 1.0)[:, None]       # 'mean' aggregation
    return agg + x @ root + bias

def reference(x, edge_index, edge_attr, A1, b1, A2, b2, root1, bias1, root2, bias2, Wo, bo):
    src = edge_index[0]
    dst = edge_index[1]
    # shared edge MLP (same nn_edge module used by both convs in the torch code)
    h_e = jax.nn.relu(edge_attr @ A1 + b1)
    W_flat = h_e @ A2 + b2                              # [E, D_IN*HID]
    W_e = W_flat.reshape(-1, D_IN, HID)
    h = jax.nn.relu(_nnconv(x, src, dst, W_e, root1, bias1))
    # dropout p=0.0 (eval / deterministic) -> identity
    h = jax.nn.relu(_nnconv(h, src, dst, W_e, root2, bias2))
    out = jax.nn.sigmoid(h @ Wo + bo)                   # [N, 1]
    return out

if __name__ == "__main__":
    import jax
    _d = setup_inputs()
    print(jax.jit(kernel)(*tuple(_d.values())))

</pallas_src>

<mosaic_0001>
#map = affine_map<(d0, d1) -> (0, 0)>
#map1 = affine_map<(d0, d1) -> (0)>
module attributes {stable_mosaic.version = 14 : i64} {
  func.func @k(%arg0: i32, %arg1: i32, %arg2: memref<160000x48xf32, #tpu.memory_space<hbm>>, %arg3: memref<160000xi32, #tpu.memory_space<hbm>>, %arg4: memref<10000x48xf32, #tpu.memory_space<hbm>>, %arg5: memref<20000x48xf32, #tpu.memory_space<hbm>>, %arg6: memref<10000x48xf32, #tpu.memory_space<vmem_shared>>, %arg7: memref<128xi32, #tpu.memory_space<vmem>>, %arg8: memref<128x48xf32, #tpu.memory_space<vmem>>, %arg9: memref<8xi32, #tpu.memory_space<vmem>>, %arg10: memref<8x48xf32, #tpu.memory_space<vmem>>) attributes {dimension_semantics = [#tpu.dimension_semantics<core_parallel>, #tpu.dimension_semantics<subcore_parallel>], iteration_bounds = array<i64: 2, 16>, scalar_prefetch = 0 : i64, scratch_operands = 5 : i64, tpu.core_type = #tpu.core_type<sc_vector_subcore>, window_params = [{transform_indices = #map}, {transform_indices = #map1}, {transform_indices = #map}, {transform_indices = #map}]} {
    %mul3A = arith.constant 2 : i32
    %mul3A_0 = arith.muli %arg1, %mul3A : i32
    %add3A = arith.addi %mul3A_0, %arg0 : i32
    %mul3A_1 = arith.constant 5000 : i32
    %mul3A_2 = arith.muli %add3A, %mul3A_1 : i32
    %mul3A_3 = arith.constant 625 : i32
    %mul3A_4 = arith.muli %arg1, %mul3A_3 : i32
    %mul3A_5 = arith.constant 625 : i32
    %mul3A_6 = arith.muli %arg1, %mul3A_5 : i32
    "tpu.region"() ({
      %run_scoped3A = tpu.sem_alloc : memref<!tpu.dma_semaphore, #tpu.memory_space<semaphore_mem>>
      %dma_start3A = arith.constant 0 : i32
      %dma_start3A_23 = tpu.memref_slice %arg6[%mul3A_6, %dma_start3A] : memref<10000x48xf32, #tpu.memory_space<vmem_shared>> -> memref<625x48xf32, #tpu.memory_space<vmem_shared>>
      %dma_start3A_24 = arith.constant 0 : i32
      %dma_start3A_25 = tpu.memref_slice %arg4[%mul3A_4, %dma_start3A_24] : memref<10000x48xf32, #tpu.memory_space<hbm>> -> memref<625x48xf32, #tpu.memory_space<hbm>>
      tpu.enqueue_dma source(%dma_start3A_25 : memref<625x48xf32, #tpu.memory_space<hbm>>) target(%dma_start3A_23 : memref<625x48xf32, #tpu.memory_space<vmem_shared>>) target_semaphore(%run_scoped3A : memref<!tpu.dma_semaphore, #tpu.memory_space<semaphore_mem>>)
      %dma_wait3A = arith.constant 0 : i32
      %dma_wait3A_26 = tpu.memref_slice %arg6[%mul3A_6, %dma_wait3A] : memref<10000x48xf32, #tpu.memory_space<vmem_shared>> -> memref<625x48xf32, #tpu.memory_space<vmem_shared>>
      %dma_wait3A_27 = arith.constant 0 : i32
      %dma_wait3A_28 = tpu.memref_slice %arg4[%mul3A_4, %dma_wait3A_27] : memref<10000x48xf32, #tpu.memory_space<hbm>> -> memref<625x48xf32, #tpu.memory_space<hbm>>
      tpu.wait_dma2 semaphore(%run_scoped3A : memref<!tpu.dma_semaphore, #tpu.memory_space<semaphore_mem>>) src(%dma_wait3A_28 : memref<625x48xf32, #tpu.memory_space<hbm>>) dst(%dma_wait3A_26 : memref<625x48xf32, #tpu.memory_space<vmem_shared>>)
      tpu.yield
    }) : () -> ()
    %barrier3A = arith.constant 0 : index
    tpu.barrier barrier_id(%barrier3A)
    %scan3A = arith.constant 0 : i32
    %scan3A_7 = arith.constant 0 : i32
    %scan3A_8 = arith.constant 39 : i32
    %scan3A_9 = arith.addi %scan3A_7, %scan3A_8 : i32
    %scan3A_10 = arith.constant 1 : i32
    %scan3A_11 = scf.for %scan3A_23 = %scan3A_7 to %scan3A_9 step %scan3A_10 iter_args(%scan3A_24 = %scan3A) -> (i32)  : i32 {
      %mul3A_25 = arith.constant 128 : i32
      %mul3A_26 = arith.muli %scan3A_23, %mul3A_25 : i32
      %add3A_27 = arith.addi %mul3A_2, %mul3A_26 : i32
      "tpu.region"() ({
        %run_scoped3A = tpu.sem_alloc : memref<!tpu.dma_semaphore, #tpu.memory_space<semaphore_mem>>
        %dma_start3A = tpu.memref_slice %arg3[%add3A_27] : memref<160000xi32, #tpu.memory_space<hbm>> -> memref<128xi32, #tpu.memory_space<hbm>>
        %dma_start3A_29 = tpu.memref_slice %arg3[%add3A_27] : memref<160000xi32, #tpu.memory_space<hbm>> -> memref<128xi32, #tpu.memory_space<hbm>>
        tpu.enqueue_dma source(%dma_start3A_29 : memref<128xi32, #tpu.memory_space<hbm>>) target(%arg7 : memref<128xi32, #tpu.memory_space<vmem>>) target_semaphore(%run_scoped3A : memref<!tpu.dma_semaphore, #tpu.memory_space<semaphore_mem>>)
        %dma_wait3A = tpu.memref_slice %arg3[%add3A_27] : memref<160000xi32, #tpu.memory_space<hbm>> -> memref<128xi32, #tpu.memory_space<hbm>>
        %dma_wait3A_30 = tpu.memref_slice %arg3[%add3A_27] : memref<160000xi32, #tpu.memory_space<hbm>> -> memref<128xi32, #tpu.memory_space<hbm>>
        tpu.wait_dma2 semaphore(%run_scoped3A : memref<!tpu.dma_semaphore, #tpu.memory_space<semaphore_mem>>) src(%dma_wait3A_30 : memref<128xi32, #tpu.memory_space<hbm>>) dst(%arg7 : memref<128xi32, #tpu.memory_space<vmem>>)
        tpu.yield
      }) : () -> ()
      "tpu.region"() ({
        %run_scoped3A = tpu.sem_alloc : memref<!tpu.dma_semaphore, #tpu.memory_space<semaphore_mem>>
        %dma_start3A = arith.constant 0 : i32
        %dma_start3A_29 = tpu.memref_slice %arg2[%add3A_27, %dma_start3A] : memref<160000x48xf32, #tpu.memory_space<hbm>> -> memref<128x48xf32, #tpu.memory_space<hbm>>
        %dma_start3A_30 = arith.constant 0 : i32
        %dma_start3A_31 = tpu.memref_slice %arg2[%add3A_27, %dma_start3A_30] : memref<160000x48xf32, #tpu.memory_space<hbm>> -> memref<128x48xf32, #tpu.memory_space<hbm>>
        tpu.enqueue_dma source(%dma_start3A_31 : memref<128x48xf32, #tpu.memory_space<hbm>>) target(%arg8 : memref<128x48xf32, #tpu.memory_space<vmem>>) target_semaphore(%run_scoped3A : memref<!tpu.dma_semaphore, #tpu.memory_space<semaphore_mem>>)
        %dma_wait3A = arith.constant 0 : i32
        %dma_wait3A_32 = tpu.memref_slice %arg2[%add3A_27, %dma_wait3A] : memref<160000x48xf32, #tpu.memory_space<hbm>> -> memref<128x48xf32, #tpu.memory_space<hbm>>
        %dma_wait3A_33 = arith.constant 0 : i32
        %dma_wait3A_34 = tpu.memref_slice %arg2[%add3A_27, %dma_wait3A_33] : memref<160000x48xf32, #tpu.memory_space<hbm>> -> memref<128x48xf32, #tpu.memory_space<hbm>>
        tpu.wait_dma2 semaphore(%run_scoped3A : memref<!tpu.dma_semaphore, #tpu.memory_space<semaphore_mem>>) src(%dma_wait3A_34 : memref<128x48xf32, #tpu.memory_space<hbm>>) dst(%arg8 : memref<128x48xf32, #tpu.memory_space<vmem>>)
        tpu.yield
      }) : () -> ()
      "tpu.region"() ({
        %run_scoped3A = tpu.sem_alloc : memref<!tpu.dma_semaphore, #tpu.memory_space<semaphore_mem>>
        %dma_start3A = arith.constant 0 : i32
        %dma_start3A_29 = arith.constant 0 : i32
        %dma_start3A_30 = tpu.memref_slice %arg6[%dma_start3A, %dma_start3A_29] : memref<10000x48xf32, #tpu.memory_space<vmem_shared>> -> memref<10000x48xf32, #tpu.memory_space<vmem_shared>>
        tpu.enqueue_indirect_dma source(%arg8 : memref<128x48xf32, #tpu.memory_space<vmem>>) target(%dma_start3A_30 : memref<10000x48xf32, #tpu.memory_space<vmem_shared>>) offsets(%arg7 : memref<128xi32, #tpu.memory_space<vmem>>) semaphore(%run_scoped3A : memref<!tpu.dma_semaphore, #tpu.memory_space<semaphore_mem>>) {add = true}
        %dma_wait3A = arith.constant 0 : i32
        %dma_wait3A_31 = arith.constant 0 : i32
        %dma_wait3A_32 = tpu.memref_slice %arg6[%dma_wait3A, %dma_wait3A_31] : memref<10000x48xf32, #tpu.memory_space<vmem_shared>> -> memref<10000x48xf32, #tpu.memory_space<vmem_shared>>
        tpu.wait_indirect_dma semaphore(%run_scoped3A : memref<!tpu.dma_semaphore, #tpu.memory_space<semaphore_mem>>) src(%arg8 : memref<128x48xf32, #tpu.memory_space<vmem>>) dst(%dma_wait3A_32 : memref<10000x48xf32, #tpu.memory_space<vmem_shared>>)
        tpu.yield
      }) : () -> ()
      %scan3A_28 = arith.constant 0 : i32
      scf.yield %scan3A_28 : i32
    }
    %scan3A_12 = arith.constant 39 : i32
    %add3A_13 = arith.constant 4992 : i32
    %add3A_14 = arith.addi %mul3A_2, %add3A_13 : i32
    "tpu.region"() ({
      %run_scoped3A = tpu.sem_alloc : memref<!tpu.dma_semaphore, #tpu.memory_space<semaphore_mem>>
      %dma_start3A = tpu.memref_slice %arg3[%add3A_14] : memref<160000xi32, #tpu.memory_space<hbm>> -> memref<8xi32, #tpu.memory_space<hbm>>
      %dma_start3A_23 = tpu.memref_slice %arg3[%add3A_14] : memref<160000xi32, #tpu.memory_space<hbm>> -> memref<8xi32, #tpu.memory_space<hbm>>
      tpu.enqueue_dma source(%dma_start3A_23 : memref<8xi32, #tpu.memory_space<hbm>>) target(%arg9 : memref<8xi32, #tpu.memory_space<vmem>>) target_semaphore(%run_scoped3A : memref<!tpu.dma_semaphore, #tpu.memory_space<semaphore_mem>>)
      %dma_wait3A = tpu.memref_slice %arg3[%add3A_14] : memref<160000xi32, #tpu.memory_space<hbm>> -> memref<8xi32, #tpu.memory_space<hbm>>
      %dma_wait3A_24 = tpu.memref_slice %arg3[%add3A_14] : memref<160000xi32, #tpu.memory_space<hbm>> -> memref<8xi32, #tpu.memory_space<hbm>>
      tpu.wait_dma2 semaphore(%run_scoped3A : memref<!tpu.dma_semaphore, #tpu.memory_space<semaphore_mem>>) src(%dma_wait3A_24 : memref<8xi32, #tpu.memory_space<hbm>>) dst(%arg9 : memref<8xi32, #tpu.memory_space<vmem>>)
      tpu.yield
    }) : () -> ()
    "tpu.region"() ({
      %run_scoped3A = tpu.sem_alloc : memref<!tpu.dma_semaphore, #tpu.memory_space<semaphore_mem>>
      %dma_start3A = arith.constant 0 : i32
      %dma_start3A_23 = tpu.memref_slice %arg2[%add3A_14, %dma_start3A] : memref<160000x48xf32, #tpu.memory_space<hbm>> -> memref<8x48xf32, #tpu.memory_space<hbm>>
      %dma_start3A_24 = arith.constant 0 : i32
      %dma_start3A_25 = tpu.memref_slice %arg2[%add3A_14, %dma_start3A_24] : memref<160000x48xf32, #tpu.memory_space<hbm>> -> memref<8x48xf32, #tpu.memory_space<hbm>>
      tpu.enqueue_dma source(%dma_start3A_25 : memref<8x48xf32, #tpu.memory_space<hbm>>) target(%arg10 : memref<8x48xf32, #tpu.memory_space<vmem>>) target_semaphore(%run_scoped3A : memref<!tpu.dma_semaphore, #tpu.memory_space<semaphore_mem>>)
      %dma_wait3A = arith.constant 0 : i32
      %dma_wait3A_26 = tpu.memref_slice %arg2[%add3A_14, %dma_wait3A] : memref<160000x48xf32, #tpu.memory_space<hbm>> -> memref<8x48xf32, #tpu.memory_space<hbm>>
      %dma_wait3A_27 = arith.constant 0 : i32
      %dma_wait3A_28 = tpu.memref_slice %arg2[%add3A_14, %dma_wait3A_27] : memref<160000x48xf32, #tpu.memory_space<hbm>> -> memref<8x48xf32, #tpu.memory_space<hbm>>
      tpu.wait_dma2 semaphore(%run_scoped3A : memref<!tpu.dma_semaphore, #tpu.memory_space<semaphore_mem>>) src(%dma_wait3A_28 : memref<8x48xf32, #tpu.memory_space<hbm>>) dst(%arg10 : memref<8x48xf32, #tpu.memory_space<vmem>>)
      tpu.yield
    }) : () -> ()
    "tpu.region"() ({
      %run_scoped3A = tpu.sem_alloc : memref<!tpu.dma_semaphore, #tpu.memory_space<semaphore_mem>>
      %dma_start3A = arith.constant 0 : i32
      %dma_start3A_23 = arith.constant 0 : i32
      %dma_start3A_24 = tpu.memref_slice %arg6[%dma_start3A, %dma_start3A_23] : memref<10000x48xf32, #tpu.memory_space<vmem_shared>> -> memref<10000x48xf32, #tpu.memory_space<vmem_shared>>
      tpu.enqueue_indirect_dma source(%arg10 : memref<8x48xf32, #tpu.memory_space<vmem>>) target(%dma_start3A_24 : memref<10000x48xf32, #tpu.memory_space<vmem_shared>>) offsets(%arg9 : memref<8xi32, #tpu.memory_space<vmem>>) semaphore(%run_scoped3A : memref<!tpu.dma_semaphore, #tpu.memory_space<semaphore_mem>>) {add = true}
      %dma_wait3A = arith.constant 0 : i32
      %dma_wait3A_25 = arith.constant 0 : i32
      %dma_wait3A_26 = tpu.memref_slice %arg6[%dma_wait3A, %dma_wait3A_25] : memref<10000x48xf32, #tpu.memory_space<vmem_shared>> -> memref<10000x48xf32, #tpu.memory_space<vmem_shared>>
      tpu.wait_indirect_dma semaphore(%run_scoped3A : memref<!tpu.dma_semaphore, #tpu.memory_space<semaphore_mem>>) src(%arg10 : memref<8x48xf32, #tpu.memory_space<vmem>>) dst(%dma_wait3A_26 : memref<10000x48xf32, #tpu.memory_space<vmem_shared>>)
      tpu.yield
    }) : () -> ()
    %barrier3A_15 = arith.constant 0 : index
    tpu.barrier barrier_id(%barrier3A_15)
    %mul3A_16 = arith.constant 625 : i32
    %mul3A_17 = arith.muli %arg1, %mul3A_16 : i32
    %mul3A_18 = arith.constant 10000 : i32
    %mul3A_19 = arith.muli %arg0, %mul3A_18 : i32
    %mul3A_20 = arith.constant 625 : i32
    %mul3A_21 = arith.muli %arg1, %mul3A_20 : i32
    %add3A_22 = arith.addi %mul3A_19, %mul3A_21 : i32
    "tpu.region"() ({
      %run_scoped3A = tpu.sem_alloc : memref<!tpu.dma_semaphore, #tpu.memory_space<semaphore_mem>>
      %dma_start3A = arith.constant 0 : i32
      %dma_start3A_23 = tpu.memref_slice %arg5[%add3A_22, %dma_start3A] : memref<20000x48xf32, #tpu.memory_space<hbm>> -> memref<625x48xf32, #tpu.memory_space<hbm>>
      %dma_start3A_24 = arith.constant 0 : i32
      %dma_start3A_25 = tpu.memref_slice %arg6[%mul3A_17, %dma_start3A_24] : memref<10000x48xf32, #tpu.memory_space<vmem_shared>> -> memref<625x48xf32, #tpu.memory_space<vmem_shared>>
      tpu.enqueue_dma source(%dma_start3A_25 : memref<625x48xf32, #tpu.memory_space<vmem_shared>>) target(%dma_start3A_23 : memref<625x48xf32, #tpu.memory_space<hbm>>) target_semaphore(%run_scoped3A : memref<!tpu.dma_semaphore, #tpu.memory_space<semaphore_mem>>)
      %dma_wait3A = arith.constant 0 : i32
      %dma_wait3A_26 = tpu.memref_slice %arg5[%add3A_22, %dma_wait3A] : memref<20000x48xf32, #tpu.memory_space<hbm>> -> memref<625x48xf32, #tpu.memory_space<hbm>>
      %dma_wait3A_27 = arith.constant 0 : i32
      %dma_wait3A_28 = tpu.memref_slice %arg6[%mul3A_17, %dma_wait3A_27] : memref<10000x48xf32, #tpu.memory_space<vmem_shared>> -> memref<625x48xf32, #tpu.memory_space<vmem_shared>>
      tpu.wait_dma2 semaphore(%run_scoped3A : memref<!tpu.dma_semaphore, #tpu.memory_space<semaphore_mem>>) src(%dma_wait3A_28 : memref<625x48xf32, #tpu.memory_space<vmem_shared>>) dst(%dma_wait3A_26 : memref<625x48xf32, #tpu.memory_space<hbm>>)
      tpu.yield
    }) : () -> ()
    return
  }
}

#map = affine_map<(d0, d1) -> (0, 0)>
#map1 = affine_map<(d0, d1) -> (0)>
module attributes {stable_mosaic.version = 14 : i64} {
  func.func @k(%arg0: i32, %arg1: i32, %arg2: memref<10000x32xf32, #tpu.memory_space<hbm>>, %arg3: memref<160000xi32, #tpu.memory_space<hbm>>, %arg4: memref<160000x32xf32, #tpu.memory_space<hbm>>, %arg5: memref<5000xi32, #tpu.memory_space<vmem>>, %arg6: memref<128x32xf32, #tpu.memory_space<vmem>>, %arg7: memref<8xi32, #tpu.memory_space<vmem>>, %arg8: memref<8x32xf32, #tpu.memory_space<vmem>>, %arg9: memref<!tpu.dma_semaphore, #tpu.memory_space<semaphore_mem>>) attributes {dimension_semantics = [#tpu.dimension_semantics<core_parallel>, #tpu.dimension_semantics<subcore_parallel>], iteration_bounds = array<i64: 2, 16>, scalar_prefetch = 0 : i64, scratch_operands = 5 : i64, tpu.core_type = #tpu.core_type<sc_vector_subcore>, window_params = [{transform_indices = #map}, {transform_indices = #map1}, {transform_indices = #map}]} {
    %mul3A = arith.constant 2 : i32
    %mul3A_0 = arith.muli %arg1, %mul3A : i32
    %add3A = arith.addi %mul3A_0, %arg0 : i32
    %mul3A_1 = arith.constant 5000 : i32
    %mul3A_2 = arith.muli %add3A, %mul3A_1 : i32
    "tpu.region"() ({
      %run_scoped3A = tpu.sem_alloc : memref<!tpu.dma_semaphore, #tpu.memory_space<semaphore_mem>>
      %dma_start3A_17 = tpu.memref_slice %arg3[%mul3A_2] : memref<160000xi32, #tpu.memory_space<hbm>> -> memref<5000xi32, #tpu.memory_space<hbm>>
      %dma_start3A_18 = tpu.memref_slice %arg3[%mul3A_2] : memref<160000xi32, #tpu.memory_space<hbm>> -> memref<5000xi32, #tpu.memory_space<hbm>>
      tpu.enqueue_dma source(%dma_start3A_18 : memref<5000xi32, #tpu.memory_space<hbm>>) target(%arg5 : memref<5000xi32, #tpu.memory_space<vmem>>) target_semaphore(%run_scoped3A : memref<!tpu.dma_semaphore, #tpu.memory_space<semaphore_mem>>)
      %dma_wait3A_19 = tpu.memref_slice %arg3[%mul3A_2] : memref<160000xi32, #tpu.memory_space<hbm>> -> memref<5000xi32, #tpu.memory_space<hbm>>
      %dma_wait3A_20 = tpu.memref_slice %arg3[%mul3A_2] : memref<160000xi32, #tpu.memory_space<hbm>> -> memref<5000xi32, #tpu.memory_space<hbm>>
      tpu.wait_dma2 semaphore(%run_scoped3A : memref<!tpu.dma_semaphore, #tpu.memory_space<semaphore_mem>>) src(%dma_wait3A_20 : memref<5000xi32, #tpu.memory_space<hbm>>) dst(%arg5 : memref<5000xi32, #tpu.memory_space<vmem>>)
      tpu.yield
    }) : () -> ()
    %scan3A = arith.constant 0 : i32
    %scan3A_3 = arith.constant 0 : i32
    %scan3A_4 = arith.constant 39 : i32
    %scan3A_5 = arith.addi %scan3A_3, %scan3A_4 : i32
    %scan3A_6 = arith.constant 1 : i32
    %scan3A_7 = scf.for %scan3A_17 = %scan3A_3 to %scan3A_5 step %scan3A_6 iter_args(%scan3A_18 = %scan3A) -> (i32)  : i32 {
      %mul3A_19 = arith.constant 128 : i32
      %mul3A_20 = arith.muli %scan3A_17, %mul3A_19 : i32
      %dma_start3A_21 = tpu.memref_slice %arg5[%mul3A_20] : memref<5000xi32, #tpu.memory_space<vmem>> -> memref<128xi32, #tpu.memory_space<vmem>>
      %dma_start3A_22 = arith.constant 0 : i32
      %dma_start3A_23 = arith.constant 0 : i32
      %dma_start3A_24 = tpu.memref_slice %arg2[%dma_start3A_22, %dma_start3A_23] : memref<10000x32xf32, #tpu.memory_space<hbm>> -> memref<10000x32xf32, #tpu.memory_space<hbm>>
      tpu.enqueue_indirect_dma source(%dma_start3A_24 : memref<10000x32xf32, #tpu.memory_space<hbm>>) target(%arg6 : memref<128x32xf32, #tpu.memory_space<vmem>>) offsets(%dma_start3A_21 : memref<128xi32, #tpu.memory_space<vmem>>) semaphore(%arg9 : memref<!tpu.dma_semaphore, #tpu.memory_space<semaphore_mem>>)
      %dma_wait3A_25 = tpu.memref_slice %arg5[%mul3A_20] : memref<5000xi32, #tpu.memory_space<vmem>> -> memref<128xi32, #tpu.memory_space<vmem>>
      %dma_wait3A_26 = arith.constant 0 : i32
      %dma_wait3A_27 = arith.constant 0 : i32
      %dma_wait3A_28 = tpu.memref_slice %arg2[%dma_wait3A_26, %dma_wait3A_27] : memref<10000x32xf32, #tpu.memory_space<hbm>> -> memref<10000x32xf32, #tpu.memory_space<hbm>>
      tpu.wait_indirect_dma semaphore(%arg9 : memref<!tpu.dma_semaphore, #tpu.memory_space<semaphore_mem>>) src(%dma_wait3A_28 : memref<10000x32xf32, #tpu.memory_space<hbm>>) dst(%arg6 : memref<128x32xf32, #tpu.memory_space<vmem>>)
      %add3A_29 = arith.addi %mul3A_2, %mul3A_20 : i32
      "tpu.region"() ({
        %run_scoped3A = tpu.sem_alloc : memref<!tpu.dma_semaphore, #tpu.memory_space<semaphore_mem>>
        %dma_start3A_31 = arith.constant 0 : i32
        %dma_start3A_32 = tpu.memref_slice %arg4[%add3A_29, %dma_start3A_31] : memref<160000x32xf32, #tpu.memory_space<hbm>> -> memref<128x32xf32, #tpu.memory_space<hbm>>
        %dma_start3A_33 = arith.constant 0 : i32
        %dma_start3A_34 = tpu.memref_slice %arg4[%add3A_29, %dma_start3A_33] : memref<160000x32xf32, #tpu.memory_space<hbm>> -> memref<128x32xf32, #tpu.memory_space<hbm>>
        tpu.enqueue_dma source(%arg6 : memref<128x32xf32, #tpu.memory_space<vmem>>) target(%dma_start3A_34 : memref<128x32xf32, #tpu.memory_space<hbm>>) target_semaphore(%run_scoped3A : memref<!tpu.dma_semaphore, #tpu.memory_space<semaphore_mem>>)
        %dma_wait3A_35 = arith.constant 0 : i32
        %dma_wait3A_36 = tpu.memref_slice %arg4[%add3A_29, %dma_wait3A_35] : memref<160000x32xf32, #tpu.memory_space<hbm>> -> memref<128x32xf32, #tpu.memory_space<hbm>>
        %dma_wait3A_37 = arith.constant 0 : i32
        %dma_wait3A_38 = tpu.memref_slice %arg4[%add3A_29, %dma_wait3A_37] : memref<160000x32xf32, #tpu.memory_space<hbm>> -> memref<128x32xf32, #tpu.memory_space<hbm>>
        tpu.wait_dma2 semaphore(%run_scoped3A : memref<!tpu.dma_semaphore, #tpu.memory_space<semaphore_mem>>) src(%arg6 : memref<128x32xf32, #tpu.memory_space<vmem>>) dst(%dma_wait3A_38 : memref<128x32xf32, #tpu.memory_space<hbm>>)
        tpu.yield
      }) : () -> ()
      %scan3A_30 = arith.constant 0 : i32
      scf.yield %scan3A_30 : i32
    }
    %scan3A_8 = arith.constant 39 : i32
    %add3A_9 = arith.constant 4992 : i32
    %add3A_10 = arith.addi %mul3A_2, %add3A_9 : i32
    "tpu.region"() ({
      %run_scoped3A = tpu.sem_alloc : memref<!tpu.dma_semaphore, #tpu.memory_space<semaphore_mem>>
      %dma_start3A_17 = tpu.memref_slice %arg3[%add3A_10] : memref<160000xi32, #tpu.memory_space<hbm>> -> memref<8xi32, #tpu.memory_space<hbm>>
      %dma_start3A_18 = tpu.memref_slice %arg3[%add3A_10] : memref<160000xi32, #tpu.memory_space<hbm>> -> memref<8xi32, #tpu.memory_space<hbm>>
      tpu.enqueue_dma source(%dma_start3A_18 : memref<8xi32, #tpu.memory_space<hbm>>) target(%arg7 : memref<8xi32, #tpu.memory_space<vmem>>) target_semaphore(%run_scoped3A : memref<!tpu.dma_semaphore, #tpu.memory_space<semaphore_mem>>)
      %dma_wait3A_19 = tpu.memref_slice %arg3[%add3A_10] : memref<160000xi32, #tpu.memory_space<hbm>> -> memref<8xi32, #tpu.memory_space<hbm>>
      %dma_wait3A_20 = tpu.memref_slice %arg3[%add3A_10] : memref<160000xi32, #tpu.memory_space<hbm>> -> memref<8xi32, #tpu.memory_space<hbm>>
      tpu.wait_dma2 semaphore(%run_scoped3A : memref<!tpu.dma_semaphore, #tpu.memory_space<semaphore_mem>>) src(%dma_wait3A_20 : memref<8xi32, #tpu.memory_space<hbm>>) dst(%arg7 : memref<8xi32, #tpu.memory_space<vmem>>)
      tpu.yield
    }) : () -> ()
    %dma_start3A = arith.constant 0 : i32
    %dma_start3A_11 = arith.constant 0 : i32
    %dma_start3A_12 = tpu.memref_slice %arg2[%dma_start3A, %dma_start3A_11] : memref<10000x32xf32, #tpu.memory_space<hbm>> -> memref<10000x32xf32, #tpu.memory_space<hbm>>
    tpu.enqueue_indirect_dma source(%dma_start3A_12 : memref<10000x32xf32, #tpu.memory_space<hbm>>) target(%arg8 : memref<8x32xf32, #tpu.memory_space<vmem>>) offsets(%arg7 : memref<8xi32, #tpu.memory_space<vmem>>) semaphore(%arg9 : memref<!tpu.dma_semaphore, #tpu.memory_space<semaphore_mem>>)
    %dma_wait3A = arith.constant 0 : i32
    %dma_wait3A_13 = arith.constant 0 : i32
    %dma_wait3A_14 = tpu.memref_slice %arg2[%dma_wait3A, %dma_wait3A_13] : memref<10000x32xf32, #tpu.memory_space<hbm>> -> memref<10000x32xf32, #tpu.memory_space<hbm>>
    tpu.wait_indirect_dma semaphore(%arg9 : memref<!tpu.dma_semaphore, #tpu.memory_space<semaphore_mem>>) src(%dma_wait3A_14 : memref<10000x32xf32, #tpu.memory_space<hbm>>) dst(%arg8 : memref<8x32xf32, #tpu.memory_space<vmem>>)
    %add3A_15 = arith.constant 4992 : i32
    %add3A_16 = arith.addi %mul3A_2, %add3A_15 : i32
    "tpu.region"() ({
      %run_scoped3A = tpu.sem_alloc : memref<!tpu.dma_semaphore, #tpu.memory_space<semaphore_mem>>
      %dma_start3A_17 = arith.constant 0 : i32
      %dma_start3A_18 = tpu.memref_slice %arg4[%add3A_16, %dma_start3A_17] : memref<160000x32xf32, #tpu.memory_space<hbm>> -> memref<8x32xf32, #tpu.memory_space<hbm>>
      %dma_start3A_19 = arith.constant 0 : i32
      %dma_start3A_20 = tpu.memref_slice %arg4[%add3A_16, %dma_start3A_19] : memref<160000x32xf32, #tpu.memory_space<hbm>> -> memref<8x32xf32, #tpu.memory_space<hbm>>
      tpu.enqueue_dma source(%arg8 : memref<8x32xf32, #tpu.memory_space<vmem>>) target(%dma_start3A_20 : memref<8x32xf32, #tpu.memory_space<hbm>>) target_semaphore(%run_scoped3A : memref<!tpu.dma_semaphore, #tpu.memory_space<semaphore_mem>>)
      %dma_wait3A_21 = arith.constant 0 : i32
      %dma_wait3A_22 = tpu.memref_slice %arg4[%add3A_16, %dma_wait3A_21] : memref<160000x32xf32, #tpu.memory_space<hbm>> -> memref<8x32xf32, #tpu.memory_space<hbm>>
      %dma_wait3A_23 = arith.constant 0 : i32
      %dma_wait3A_24 = tpu.memref_slice %arg4[%add3A_16, %dma_wait3A_23] : memref<160000x32xf32, #tpu.memory_space<hbm>> -> memref<8x32xf32, #tpu.memory_space<hbm>>
      tpu.wait_dma2 semaphore(%run_scoped3A : memref<!tpu.dma_semaphore, #tpu.memory_space<semaphore_mem>>) src(%arg8 : memref<8x32xf32, #tpu.memory_space<vmem>>) dst(%dma_wait3A_24 : memref<8x32xf32, #tpu.memory_space<hbm>>)
      tpu.yield
    }) : () -> ()
    return
  }
}

#map = affine_map<(d0, d1) -> (0, 0)>
#map1 = affine_map<(d0, d1) -> (0)>
module attributes {stable_mosaic.version = 14 : i64} {
  func.func @k(%arg0: i32, %arg1: i32, %arg2: memref<160000x32xf32, #tpu.memory_space<hbm>>, %arg3: memref<160000xi32, #tpu.memory_space<hbm>>, %arg4: memref<10000x32xf32, #tpu.memory_space<hbm>>, %arg5: memref<20000x32xf32, #tpu.memory_space<hbm>>, %arg6: memref<10000x32xf32, #tpu.memory_space<vmem_shared>>, %arg7: memref<128xi32, #tpu.memory_space<vmem>>, %arg8: memref<128x32xf32, #tpu.memory_space<vmem>>, %arg9: memref<8xi32, #tpu.memory_space<vmem>>, %arg10: memref<8x32xf32, #tpu.memory_space<vmem>>) attributes {dimension_semantics = [#tpu.dimension_semantics<core_parallel>, #tpu.dimension_semantics<subcore_parallel>], iteration_bounds = array<i64: 2, 16>, scalar_prefetch = 0 : i64, scratch_operands = 5 : i64, tpu.core_type = #tpu.core_type<sc_vector_subcore>, window_params = [{transform_indices = #map}, {transform_indices = #map1}, {transform_indices = #map}, {transform_indices = #map}]} {
    %mul3A = arith.constant 2 : i32
    %mul3A_0 = arith.muli %arg1, %mul3A : i32
    %add3A = arith.addi %mul3A_0, %arg0 : i32
    %mul3A_1 = arith.constant 5000 : i32
    %mul3A_2 = arith.muli %add3A, %mul3A_1 : i32
    %mul3A_3 = arith.constant 625 : i32
    %mul3A_4 = arith.muli %arg1, %mul3A_3 : i32
    %mul3A_5 = arith.constant 625 : i32
    %mul3A_6 = arith.muli %arg1, %mul3A_5 : i32
    "tpu.region"() ({
      %run_scoped3A = tpu.sem_alloc : memref<!tpu.dma_semaphore, #tpu.memory_space<semaphore_mem>>
      %dma_start3A = arith.constant 0 : i32
      %dma_start3A_23 = tpu.memref_slice %arg6[%mul3A_6, %dma_start3A] : memref<10000x32xf32, #tpu.memory_space<vmem_shared>> -> memref<625x32xf32, #tpu.memory_space<vmem_shared>>
      %dma_start3A_24 = arith.constant 0 : i32
      %dma_start3A_25 = tpu.memref_slice %arg4[%mul3A_4, %dma_start3A_24] : memref<10000x32xf32, #tpu.memory_space<hbm>> -> memref<625x32xf32, #tpu.memory_space<hbm>>
      tpu.enqueue_dma source(%dma_start3A_25 : memref<625x32xf32, #tpu.memory_space<hbm>>) target(%dma_start3A_23 : memref<625x32xf32, #tpu.memory_space<vmem_shared>>) target_semaphore(%run_scoped3A : memref<!tpu.dma_semaphore, #tpu.memory_space<semaphore_mem>>)
      %dma_wait3A = arith.constant 0 : i32
      %dma_wait3A_26 = tpu.memref_slice %arg6[%mul3A_6, %dma_wait3A] : memref<10000x32xf32, #tpu.memory_space<vmem_shared>> -> memref<625x32xf32, #tpu.memory_space<vmem_shared>>
      %dma_wait3A_27 = arith.constant 0 : i32
      %dma_wait3A_28 = tpu.memref_slice %arg4[%mul3A_4, %dma_wait3A_27] : memref<10000x32xf32, #tpu.memory_space<hbm>> -> memref<625x32xf32, #tpu.memory_space<hbm>>
      tpu.wait_dma2 semaphore(%run_scoped3A : memref<!tpu.dma_semaphore, #tpu.memory_space<semaphore_mem>>) src(%dma_wait3A_28 : memref<625x32xf32, #tpu.memory_space<hbm>>) dst(%dma_wait3A_26 : memref<625x32xf32, #tpu.memory_space<vmem_shared>>)
      tpu.yield
    }) : () -> ()
    %barrier3A = arith.constant 0 : index
    tpu.barrier barrier_id(%barrier3A)
    %scan3A = arith.constant 0 : i32
    %scan3A_7 = arith.constant 0 : i32
    %scan3A_8 = arith.constant 39 : i32
    %scan3A_9 = arith.addi %scan3A_7, %scan3A_8 : i32
    %scan3A_10 = arith.constant 1 : i32
    %scan3A_11 = scf.for %scan3A_23 = %scan3A_7 to %scan3A_9 step %scan3A_10 iter_args(%scan3A_24 = %scan3A) -> (i32)  : i32 {
      %mul3A_25 = arith.constant 128 : i32
      %mul3A_26 = arith.muli %scan3A_23, %mul3A_25 : i32
      %add3A_27 = arith.addi %mul3A_2, %mul3A_26 : i32
      "tpu.region"() ({
        %run_scoped3A = tpu.sem_alloc : memref<!tpu.dma_semaphore, #tpu.memory_space<semaphore_mem>>
        %dma_start3A = tpu.memref_slice %arg3[%add3A_27] : memref<160000xi32, #tpu.memory_space<hbm>> -> memref<128xi32, #tpu.memory_space<hbm>>
        %dma_start3A_29 = tpu.memref_slice %arg3[%add3A_27] : memref<160000xi32, #tpu.memory_space<hbm>> -> memref<128xi32, #tpu.memory_space<hbm>>
        tpu.enqueue_dma source(%dma_start3A_29 : memref<128xi32, #tpu.memory_space<hbm>>) target(%arg7 : memref<128xi32, #tpu.memory_space<vmem>>) target_semaphore(%run_scoped3A : memref<!tpu.dma_semaphore, #tpu.memory_space<semaphore_mem>>)
        %dma_wait3A = tpu.memref_slice %arg3[%add3A_27] : memref<160000xi32, #tpu.memory_space<hbm>> -> memref<128xi32, #tpu.memory_space<hbm>>
        %dma_wait3A_30 = tpu.memref_slice %arg3[%add3A_27] : memref<160000xi32, #tpu.memory_space<hbm>> -> memref<128xi32, #tpu.memory_space<hbm>>
        tpu.wait_dma2 semaphore(%run_scoped3A : memref<!tpu.dma_semaphore, #tpu.memory_space<semaphore_mem>>) src(%dma_wait3A_30 : memref<128xi32, #tpu.memory_space<hbm>>) dst(%arg7 : memref<128xi32, #tpu.memory_space<vmem>>)
        tpu.yield
      }) : () -> ()
      "tpu.region"() ({
        %run_scoped3A = tpu.sem_alloc : memref<!tpu.dma_semaphore, #tpu.memory_space<semaphore_mem>>
        %dma_start3A = arith.constant 0 : i32
        %dma_start3A_29 = tpu.memref_slice %arg2[%add3A_27, %dma_start3A] : memref<160000x32xf32, #tpu.memory_space<hbm>> -> memref<128x32xf32, #tpu.memory_space<hbm>>
        %dma_start3A_30 = arith.constant 0 : i32
        %dma_start3A_31 = tpu.memref_slice %arg2[%add3A_27, %dma_start3A_30] : memref<160000x32xf32, #tpu.memory_space<hbm>> -> memref<128x32xf32, #tpu.memory_space<hbm>>
        tpu.enqueue_dma source(%dma_start3A_31 : memref<128x32xf32, #tpu.memory_space<hbm>>) target(%arg8 : memref<128x32xf32, #tpu.memory_space<vmem>>) target_semaphore(%run_scoped3A : memref<!tpu.dma_semaphore, #tpu.memory_space<semaphore_mem>>)
        %dma_wait3A = arith.constant 0 : i32
        %dma_wait3A_32 = tpu.memref_slice %arg2[%add3A_27, %dma_wait3A] : memref<160000x32xf32, #tpu.memory_space<hbm>> -> memref<128x32xf32, #tpu.memory_space<hbm>>
        %dma_wait3A_33 = arith.constant 0 : i32
        %dma_wait3A_34 = tpu.memref_slice %arg2[%add3A_27, %dma_wait3A_33] : memref<160000x32xf32, #tpu.memory_space<hbm>> -> memref<128x32xf32, #tpu.memory_space<hbm>>
        tpu.wait_dma2 semaphore(%run_scoped3A : memref<!tpu.dma_semaphore, #tpu.memory_space<semaphore_mem>>) src(%dma_wait3A_34 : memref<128x32xf32, #tpu.memory_space<hbm>>) dst(%arg8 : memref<128x32xf32, #tpu.memory_space<vmem>>)
        tpu.yield
      }) : () -> ()
      "tpu.region"() ({
        %run_scoped3A = tpu.sem_alloc : memref<!tpu.dma_semaphore, #tpu.memory_space<semaphore_mem>>
        %dma_start3A = arith.constant 0 : i32
        %dma_start3A_29 = arith.constant 0 : i32
        %dma_start3A_30 = tpu.memref_slice %arg6[%dma_start3A, %dma_start3A_29] : memref<10000x32xf32, #tpu.memory_space<vmem_shared>> -> memref<10000x32xf32, #tpu.memory_space<vmem_shared>>
        tpu.enqueue_indirect_dma source(%arg8 : memref<128x32xf32, #tpu.memory_space<vmem>>) target(%dma_start3A_30 : memref<10000x32xf32, #tpu.memory_space<vmem_shared>>) offsets(%arg7 : memref<128xi32, #tpu.memory_space<vmem>>) semaphore(%run_scoped3A : memref<!tpu.dma_semaphore, #tpu.memory_space<semaphore_mem>>) {add = true}
        %dma_wait3A = arith.constant 0 : i32
        %dma_wait3A_31 = arith.constant 0 : i32
        %dma_wait3A_32 = tpu.memref_slice %arg6[%dma_wait3A, %dma_wait3A_31] : memref<10000x32xf32, #tpu.memory_space<vmem_shared>> -> memref<10000x32xf32, #tpu.memory_space<vmem_shared>>
        tpu.wait_indirect_dma semaphore(%run_scoped3A : memref<!tpu.dma_semaphore, #tpu.memory_space<semaphore_mem>>) src(%arg8 : memref<128x32xf32, #tpu.memory_space<vmem>>) dst(%dma_wait3A_32 : memref<10000x32xf32, #tpu.memory_space<vmem_shared>>)
        tpu.yield
      }) : () -> ()
      %scan3A_28 = arith.constant 0 : i32
      scf.yield %scan3A_28 : i32
    }
    %scan3A_12 = arith.constant 39 : i32
    %add3A_13 = arith.constant 4992 : i32
    %add3A_14 = arith.addi %mul3A_2, %add3A_13 : i32
    "tpu.region"() ({
      %run_scoped3A = tpu.sem_alloc : memref<!tpu.dma_semaphore, #tpu.memory_space<semaphore_mem>>
      %dma_start3A = tpu.memref_slice %arg3[%add3A_14] : memref<160000xi32, #tpu.memory_space<hbm>> -> memref<8xi32, #tpu.memory_space<hbm>>
      %dma_start3A_23 = tpu.memref_slice %arg3[%add3A_14] : memref<160000xi32, #tpu.memory_space<hbm>> -> memref<8xi32, #tpu.memory_space<hbm>>
      tpu.enqueue_dma source(%dma_start3A_23 : memref<8xi32, #tpu.memory_space<hbm>>) target(%arg9 : memref<8xi32, #tpu.memory_space<vmem>>) target_semaphore(%run_scoped3A : memref<!tpu.dma_semaphore, #tpu.memory_space<semaphore_mem>>)
      %dma_wait3A = tpu.memref_slice %arg3[%add3A_14] : memref<160000xi32, #tpu.memory_space<hbm>> -> memref<8xi32, #tpu.memory_space<hbm>>
      %dma_wait3A_24 = tpu.memref_slice %arg3[%add3A_14] : memref<160000xi32, #tpu.memory_space<hbm>> -> memref<8xi32, #tpu.memory_space<hbm>>
      tpu.wait_dma2 semaphore(%run_scoped3A : memref<!tpu.dma_semaphore, #tpu.memory_space<semaphore_mem>>) src(%dma_wait3A_24 : memref<8xi32, #tpu.memory_space<hbm>>) dst(%arg9 : memref<8xi32, #tpu.memory_space<vmem>>)
      tpu.yield
    }) : () -> ()
    "tpu.region"() ({
      %run_scoped3A = tpu.sem_alloc : memref<!tpu.dma_semaphore, #tpu.memory_space<semaphore_mem>>
      %dma_start3A = arith.constant 0 : i32
      %dma_start3A_23 = tpu.memref_slice %arg2[%add3A_14, %dma_start3A] : memref<160000x32xf32, #tpu.memory_space<hbm>> -> memref<8x32xf32, #tpu.memory_space<hbm>>
      %dma_start3A_24 = arith.constant 0 : i32
      %dma_start3A_25 = tpu.memref_slice %arg2[%add3A_14, %dma_start3A_24] : memref<160000x32xf32, #tpu.memory_space<hbm>> -> memref<8x32xf32, #tpu.memory_space<hbm>>
      tpu.enqueue_dma source(%dma_start3A_25 : memref<8x32xf32, #tpu.memory_space<hbm>>) target(%arg10 : memref<8x32xf32, #tpu.memory_space<vmem>>) target_semaphore(%run_scoped3A : memref<!tpu.dma_semaphore, #tpu.memory_space<semaphore_mem>>)
      %dma_wait3A = arith.constant 0 : i32
      %dma_wait3A_26 = tpu.memref_slice %arg2[%add3A_14, %dma_wait3A] : memref<160000x32xf32, #tpu.memory_space<hbm>> -> memref<8x32xf32, #tpu.memory_space<hbm>>
      %dma_wait3A_27 = arith.constant 0 : i32
      %dma_wait3A_28 = tpu.memref_slice %arg2[%add3A_14, %dma_wait3A_27] : memref<160000x32xf32, #tpu.memory_space<hbm>> -> memref<8x32xf32, #tpu.memory_space<hbm>>
      tpu.wait_dma2 semaphore(%run_scoped3A : memref<!tpu.dma_semaphore, #tpu.memory_space<semaphore_mem>>) src(%dma_wait3A_28 : memref<8x32xf32, #tpu.memory_space<hbm>>) dst(%arg10 : memref<8x32xf32, #tpu.memory_space<vmem>>)
      tpu.yield
    }) : () -> ()
    "tpu.region"() ({
      %run_scoped3A = tpu.sem_alloc : memref<!tpu.dma_semaphore, #tpu.memory_space<semaphore_mem>>
      %dma_start3A = arith.constant 0 : i32
      %dma_start3A_23 = arith.constant 0 : i32
      %dma_start3A_24 = tpu.memref_slice %arg6[%dma_start3A, %dma_start3A_23] : memref<10000x32xf32, #tpu.memory_space<vmem_shared>> -> memref<10000x32xf32, #tpu.memory_space<vmem_shared>>
      tpu.enqueue_indirect_dma source(%arg10 : memref<8x32xf32, #tpu.memory_space<vmem>>) target(%dma_start3A_24 : memref<10000x32xf32, #tpu.memory_space<vmem_shared>>) offsets(%arg9 : memref<8xi32, #tpu.memory_space<vmem>>) semaphore(%run_scoped3A : memref<!tpu.dma_semaphore, #tpu.memory_space<semaphore_mem>>) {add = true}
      %dma_wait3A = arith.constant 0 : i32
      %dma_wait3A_25 = arith.constant 0 : i32
      %dma_wait3A_26 = tpu.memref_slice %arg6[%dma_wait3A, %dma_wait3A_25] : memref<10000x32xf32, #tpu.memory_space<vmem_shared>> -> memref<10000x32xf32, #tpu.memory_space<vmem_shared>>
      tpu.wait_indirect_dma semaphore(%run_scoped3A : memref<!tpu.dma_semaphore, #tpu.memory_space<semaphore_mem>>) src(%arg10 : memref<8x32xf32, #tpu.memory_space<vmem>>) dst(%dma_wait3A_26 : memref<10000x32xf32, #tpu.memory_space<vmem_shared>>)
      tpu.yield
    }) : () -> ()
    %barrier3A_15 = arith.constant 0 : index
    tpu.barrier barrier_id(%barrier3A_15)
    %mul3A_16 = arith.constant 625 : i32
    %mul3A_17 = arith.muli %arg1, %mul3A_16 : i32
    %mul3A_18 = arith.constant 10000 : i32
    %mul3A_19 = arith.muli %arg0, %mul3A_18 : i32
    %mul3A_20 = arith.constant 625 : i32
    %mul3A_21 = arith.muli %arg1, %mul3A_20 : i32
    %add3A_22 = arith.addi %mul3A_19, %mul3A_21 : i32
    "tpu.region"() ({
      %run_scoped3A = tpu.sem_alloc : memref<!tpu.dma_semaphore, #tpu.memory_space<semaphore_mem>>
      %dma_start3A = arith.constant 0 : i32
      %dma_start3A_23 = tpu.memref_slice %arg5[%add3A_22, %dma_start3A] : memref<20000x32xf32, #tpu.memory_space<hbm>> -> memref<625x32xf32, #tpu.memory_space<hbm>>
      %dma_start3A_24 = arith.constant 0 : i32
      %dma_start3A_25 = tpu.memref_slice %arg6[%mul3A_17, %dma_start3A_24] : memref<10000x32xf32, #tpu.memory_space<vmem_shared>> -> memref<625x32xf32, #tpu.memory_space<vmem_shared>>
      tpu.enqueue_dma source(%dma_start3A_25 : memref<625x32xf32, #tpu.memory_space<vmem_shared>>) target(%dma_start3A_23 : memref<625x32xf32, #tpu.memory_space<hbm>>) target_semaphore(%run_scoped3A : memref<!tpu.dma_semaphore, #tpu.memory_space<semaphore_mem>>)
      %dma_wait3A = arith.constant 0 : i32
      %dma_wait3A_26 = tpu.memref_slice %arg5[%add3A_22, %dma_wait3A] : memref<20000x32xf32, #tpu.memory_space<hbm>> -> memref<625x32xf32, #tpu.memory_space<hbm>>
      %dma_wait3A_27 = arith.constant 0 : i32
      %dma_wait3A_28 = tpu.memref_slice %arg6[%mul3A_17, %dma_wait3A_27] : memref<10000x32xf32, #tpu.memory_space<vmem_shared>> -> memref<625x32xf32, #tpu.memory_space<vmem_shared>>
      tpu.wait_dma2 semaphore(%run_scoped3A : memref<!tpu.dma_semaphore, #tpu.memory_space<semaphore_mem>>) src(%dma_wait3A_28 : memref<625x32xf32, #tpu.memory_space<vmem_shared>>) dst(%dma_wait3A_26 : memref<625x32xf32, #tpu.memory_space<hbm>>)
      tpu.yield
    }) : () -> ()
    return
  }
}

#map = affine_map<(d0, d1) -> (0, 0)>
#map1 = affine_map<(d0, d1) -> (0)>
module attributes {stable_mosaic.version = 14 : i64} {
  func.func @k(%arg0: i32, %arg1: i32, %arg2: memref<10000x32xf32, #tpu.memory_space<hbm>>, %arg3: memref<160000xi32, #tpu.memory_space<hbm>>, %arg4: memref<160000x32xf32, #tpu.memory_space<hbm>>, %arg5: memref<5000xi32, #tpu.memory_space<vmem>>, %arg6: memref<128x32xf32, #tpu.memory_space<vmem>>, %arg7: memref<8xi32, #tpu.memory_space<vmem>>, %arg8: memref<8x32xf32, #tpu.memory_space<vmem>>, %arg9: memref<!tpu.dma_semaphore, #tpu.memory_space<semaphore_mem>>) attributes {dimension_semantics = [#tpu.dimension_semantics<core_parallel>, #tpu.dimension_semantics<subcore_parallel>], iteration_bounds = array<i64: 2, 16>, scalar_prefetch = 0 : i64, scratch_operands = 5 : i64, tpu.core_type = #tpu.core_type<sc_vector_subcore>, window_params = [{transform_indices = #map}, {transform_indices = #map1}, {transform_indices = #map}]} {
    %mul3A = arith.constant 2 : i32
    %mul3A_0 = arith.muli %arg1, %mul3A : i32
    %add3A = arith.addi %mul3A_0, %arg0 : i32
    %mul3A_1 = arith.constant 5000 : i32
    %mul3A_2 = arith.muli %add3A, %mul3A_1 : i32
    "tpu.region"() ({
      %run_scoped3A = tpu.sem_alloc : memref<!tpu.dma_semaphore, #tpu.memory_space<semaphore_mem>>
      %dma_start3A_17 = tpu.memref_slice %arg3[%mul3A_2] : memref<160000xi32, #tpu.memory_space<hbm>> -> memref<5000xi32, #tpu.memory_space<hbm>>
      %dma_start3A_18 = tpu.memref_slice %arg3[%mul3A_2] : memref<160000xi32, #tpu.memory_space<hbm>> -> memref<5000xi32, #tpu.memory_space<hbm>>
      tpu.enqueue_dma source(%dma_start3A_18 : memref<5000xi32, #tpu.memory_space<hbm>>) target(%arg5 : memref<5000xi32, #tpu.memory_space<vmem>>) target_semaphore(%run_scoped3A : memref<!tpu.dma_semaphore, #tpu.memory_space<semaphore_mem>>)
      %dma_wait3A_19 = tpu.memref_slice %arg3[%mul3A_2] : memref<160000xi32, #tpu.memory_space<hbm>> -> memref<5000xi32, #tpu.memory_space<hbm>>
      %dma_wait3A_20 = tpu.memref_slice %arg3[%mul3A_2] : memref<160000xi32, #tpu.memory_space<hbm>> -> memref<5000xi32, #tpu.memory_space<hbm>>
      tpu.wait_dma2 semaphore(%run_scoped3A : memref<!tpu.dma_semaphore, #tpu.memory_space<semaphore_mem>>) src(%dma_wait3A_20 : memref<5000xi32, #tpu.memory_space<hbm>>) dst(%arg5 : memref<5000xi32, #tpu.memory_space<vmem>>)
      tpu.yield
    }) : () -> ()
    %scan3A = arith.constant 0 : i32
    %scan3A_3 = arith.constant 0 : i32
    %scan3A_4 = arith.constant 39 : i32
    %scan3A_5 = arith.addi %scan3A_3, %scan3A_4 : i32
    %scan3A_6 = arith.constant 1 : i32
    %scan3A_7 = scf.for %scan3A_17 = %scan3A_3 to %scan3A_5 step %scan3A_6 iter_args(%scan3A_18 = %scan3A) -> (i32)  : i32 {
      %mul3A_19 = arith.constant 128 : i32
      %mul3A_20 = arith.muli %scan3A_17, %mul3A_19 : i32
      %dma_start3A_21 = tpu.memref_slice %arg5[%mul3A_20] : memref<5000xi32, #tpu.memory_space<vmem>> -> memref<128xi32, #tpu.memory_space<vmem>>
      %dma_start3A_22 = arith.constant 0 : i32
      %dma_start3A_23 = arith.constant 0 : i32
      %dma_start3A_24 = tpu.memref_slice %arg2[%dma_start3A_22, %dma_start3A_23] : memref<10000x32xf32, #tpu.memory_space<hbm>> -> memref<10000x32xf32, #tpu.memory_space<hbm>>
      tpu.enqueue_indirect_dma source(%dma_start3A_24 : memref<10000x32xf32, #tpu.memory_space<hbm>>) target(%arg6 : memref<128x32xf32, #tpu.memory_space<vmem>>) offsets(%dma_start3A_21 : memref<128xi32, #tpu.memory_space<vmem>>) semaphore(%arg9 : memref<!tpu.dma_semaphore, #tpu.memory_space<semaphore_mem>>)
      %dma_wait3A_25 = tpu.memref_slice %arg5[%mul3A_20] : memref<5000xi32, #tpu.memory_space<vmem>> -> memref<128xi32, #tpu.memory_space<vmem>>
      %dma_wait3A_26 = arith.constant 0 : i32
      %dma_wait3A_27 = arith.constant 0 : i32
      %dma_wait3A_28 = tpu.memref_slice %arg2[%dma_wait3A_26, %dma_wait3A_27] : memref<10000x32xf32, #tpu.memory_space<hbm>> -> memref<10000x32xf32, #tpu.memory_space<hbm>>
      tpu.wait_indirect_dma semaphore(%arg9 : memref<!tpu.dma_semaphore, #tpu.memory_space<semaphore_mem>>) src(%dma_wait3A_28 : memref<10000x32xf32, #tpu.memory_space<hbm>>) dst(%arg6 : memref<128x32xf32, #tpu.memory_space<vmem>>)
      %add3A_29 = arith.addi %mul3A_2, %mul3A_20 : i32
      "tpu.region"() ({
        %run_scoped3A = tpu.sem_alloc : memref<!tpu.dma_semaphore, #tpu.memory_space<semaphore_mem>>
        %dma_start3A_31 = arith.constant 0 : i32
        %dma_start3A_32 = tpu.memref_slice %arg4[%add3A_29, %dma_start3A_31] : memref<160000x32xf32, #tpu.memory_space<hbm>> -> memref<128x32xf32, #tpu.memory_space<hbm>>
        %dma_start3A_33 = arith.constant 0 : i32
        %dma_start3A_34 = tpu.memref_slice %arg4[%add3A_29, %dma_start3A_33] : memref<160000x32xf32, #tpu.memory_space<hbm>> -> memref<128x32xf32, #tpu.memory_space<hbm>>
        tpu.enqueue_dma source(%arg6 : memref<128x32xf32, #tpu.memory_space<vmem>>) target(%dma_start3A_34 : memref<128x32xf32, #tpu.memory_space<hbm>>) target_semaphore(%run_scoped3A : memref<!tpu.dma_semaphore, #tpu.memory_space<semaphore_mem>>)
        %dma_wait3A_35 = arith.constant 0 : i32
        %dma_wait3A_36 = tpu.memref_slice %arg4[%add3A_29, %dma_wait3A_35] : memref<160000x32xf32, #tpu.memory_space<hbm>> -> memref<128x32xf32, #tpu.memory_space<hbm>>
        %dma_wait3A_37 = arith.constant 0 : i32
        %dma_wait3A_38 = tpu.memref_slice %arg4[%add3A_29, %dma_wait3A_37] : memref<160000x32xf32, #tpu.memory_space<hbm>> -> memref<128x32xf32, #tpu.memory_space<hbm>>
        tpu.wait_dma2 semaphore(%run_scoped3A : memref<!tpu.dma_semaphore, #tpu.memory_space<semaphore_mem>>) src(%arg6 : memref<128x32xf32, #tpu.memory_space<vmem>>) dst(%dma_wait3A_38 : memref<128x32xf32, #tpu.memory_space<hbm>>)
        tpu.yield
      }) : () -> ()
      %scan3A_30 = arith.constant 0 : i32
      scf.yield %scan3A_30 : i32
    }
    %scan3A_8 = arith.constant 39 : i32
    %add3A_9 = arith.constant 4992 : i32
    %add3A_10 = arith.addi %mul3A_2, %add3A_9 : i32
    "tpu.region"() ({
      %run_scoped3A = tpu.sem_alloc : memref<!tpu.dma_semaphore, #tpu.memory_space<semaphore_mem>>
      %dma_start3A_17 = tpu.memref_slice %arg3[%add3A_10] : memref<160000xi32, #tpu.memory_space<hbm>> -> memref<8xi32, #tpu.memory_space<hbm>>
      %dma_start3A_18 = tpu.memref_slice %arg3[%add3A_10] : memref<160000xi32, #tpu.memory_space<hbm>> -> memref<8xi32, #tpu.memory_space<hbm>>
      tpu.enqueue_dma source(%dma_start3A_18 : memref<8xi32, #tpu.memory_space<hbm>>) target(%arg7 : memref<8xi32, #tpu.memory_space<vmem>>) target_semaphore(%run_scoped3A : memref<!tpu.dma_semaphore, #tpu.memory_space<semaphore_mem>>)
      %dma_wait3A_19 = tpu.memref_slice %arg3[%add3A_10] : memref<160000xi32, #tpu.memory_space<hbm>> -> memref<8xi32, #tpu.memory_space<hbm>>
      %dma_wait3A_20 = tpu.memref_slice %arg3[%add3A_10] : memref<160000xi32, #tpu.memory_space<hbm>> -> memref<8xi32, #tpu.memory_space<hbm>>
      tpu.wait_dma2 semaphore(%run_scoped3A : memref<!tpu.dma_semaphore, #tpu.memory_space<semaphore_mem>>) src(%dma_wait3A_20 : memref<8xi32, #tpu.memory_space<hbm>>) dst(%arg7 : memref<8xi32, #tpu.memory_space<vmem>>)
      tpu.yield
    }) : () -> ()
    %dma_start3A = arith.constant 0 : i32
    %dma_start3A_11 = arith.constant 0 : i32
    %dma_start3A_12 = tpu.memref_slice %arg2[%dma_start3A, %dma_start3A_11] : memref<10000x32xf32, #tpu.memory_space<hbm>> -> memref<10000x32xf32, #tpu.memory_space<hbm>>
    tpu.enqueue_indirect_dma source(%dma_start3A_12 : memref<10000x32xf32, #tpu.memory_space<hbm>>) target(%arg8 : memref<8x32xf32, #tpu.memory_space<vmem>>) offsets(%arg7 : memref<8xi32, #tpu.memory_space<vmem>>) semaphore(%arg9 : memref<!tpu.dma_semaphore, #tpu.memory_space<semaphore_mem>>)
    %dma_wait3A = arith.constant 0 : i32
    %dma_wait3A_13 = arith.constant 0 : i32
    %dma_wait3A_14 = tpu.memref_slice %arg2[%dma_wait3A, %dma_wait3A_13] : memref<10000x32xf32, #tpu.memory_space<hbm>> -> memref<10000x32xf32, #tpu.memory_space<hbm>>
    tpu.wait_indirect_dma semaphore(%arg9 : memref<!tpu.dma_semaphore, #tpu.memory_space<semaphore_mem>>) src(%dma_wait3A_14 : memref<10000x32xf32, #tpu.memory_space<hbm>>) dst(%arg8 : memref<8x32xf32, #tpu.memory_space<vmem>>)
    %add3A_15 = arith.constant 4992 : i32
    %add3A_16 = arith.addi %mul3A_2, %add3A_15 : i32
    "tpu.region"() ({
      %run_scoped3A = tpu.sem_alloc : memref<!tpu.dma_semaphore, #tpu.memory_space<semaphore_mem>>
      %dma_start3A_17 = arith.constant 0 : i32
      %dma_start3A_18 = tpu.memref_slice %arg4[%add3A_16, %dma_start3A_17] : memref<160000x32xf32, #tpu.memory_space<hbm>> -> memref<8x32xf32, #tpu.memory_space<hbm>>
      %dma_start3A_19 = arith.constant 0 : i32
      %dma_start3A_20 = tpu.memref_slice %arg4[%add3A_16, %dma_start3A_19] : memref<160000x32xf32, #tpu.memory_space<hbm>> -> memref<8x32xf32, #tpu.memory_space<hbm>>
      tpu.enqueue_dma source(%arg8 : memref<8x32xf32, #tpu.memory_space<vmem>>) target(%dma_start3A_20 : memref<8x32xf32, #tpu.memory_space<hbm>>) target_semaphore(%run_scoped3A : memref<!tpu.dma_semaphore, #tpu.memory_space<semaphore_mem>>)
      %dma_wait3A_21 = arith.constant 0 : i32
      %dma_wait3A_22 = tpu.memref_slice %arg4[%add3A_16, %dma_wait3A_21] : memref<160000x32xf32, #tpu.memory_space<hbm>> -> memref<8x32xf32, #tpu.memory_space<hbm>>
      %dma_wait3A_23 = arith.constant 0 : i32
      %dma_wait3A_24 = tpu.memref_slice %arg4[%add3A_16, %dma_wait3A_23] : memref<160000x32xf32, #tpu.memory_space<hbm>> -> memref<8x32xf32, #tpu.memory_space<hbm>>
      tpu.wait_dma2 semaphore(%run_scoped3A : memref<!tpu.dma_semaphore, #tpu.memory_space<semaphore_mem>>) src(%arg8 : memref<8x32xf32, #tpu.memory_space<vmem>>) dst(%dma_wait3A_24 : memref<8x32xf32, #tpu.memory_space<hbm>>)
      tpu.yield
    }) : () -> ()
    return
  }
}

module attributes {stable_mosaic.version = 14 : i64} {
  func.func @_edges_body(%arg0: i32, %arg1: memref<640x16xf32, #tpu.memory_space<vmem>>, %arg2: memref<640x32xf32, #tpu.memory_space<vmem>>, %arg3: memref<16x32xf32, #tpu.memory_space<vmem>>, %arg4: memref<1x32xf32, #tpu.memory_space<vmem>>, %arg5: memref<1024x32xf32, #tpu.memory_space<vmem>>, %arg6: memref<32x32xf32, #tpu.memory_space<vmem>>, %arg7: memref<32x1024xf32, #tpu.memory_space<vmem>>, %arg8: memref<640x48xf32, #tpu.memory_space<vmem>>) attributes {dimension_semantics = [#tpu.dimension_semantics<arbitrary>], iteration_bounds = array<i64: 250>, scalar_prefetch = 0 : i64, scratch_operands = 0 : i64, tpu.core_type = #tpu.core_type<tc>, window_params = [{transform_indices = @transform_0, window_bounds = array<i64: 640, 16>}, {transform_indices = @transform_1, window_bounds = array<i64: 640, 32>}, {pipeline_mode = #tpu.pipeline_mode<synchronous>, transform_indices = @transform_2, window_bounds = array<i64: 16, 32>}, {pipeline_mode = #tpu.pipeline_mode<synchronous>, transform_indices = @transform_3, window_bounds = array<i64: 1, 32>}, {pipeline_mode = #tpu.pipeline_mode<synchronous>, transform_indices = @transform_4, window_bounds = array<i64: 1024, 32>}, {pipeline_mode = #tpu.pipeline_mode<synchronous>, transform_indices = @transform_5, window_bounds = array<i64: 32, 32>}, {pipeline_mode = #tpu.pipeline_mode<synchronous>, transform_indices = @transform_6, window_bounds = array<i64: 32, 1024>}, {transform_indices = @transform_7, window_bounds = array<i64: 640, 48>}]} {
    %get3A = arith.constant 0 : index
    %get3A_0 = arith.constant 0 : index
    %get3A_1 = vector.load %arg1[%get3A, %get3A_0] : memref<640x16xf32, #tpu.memory_space<vmem>>, vector<640x16xf32>
    %get3A_2 = arith.constant 0 : index
    %get3A_3 = arith.constant 0 : index
    %get3A_4 = vector.load %arg2[%get3A_2, %get3A_3] : memref<640x32xf32, #tpu.memory_space<vmem>>, vector<640x32xf32>
    %get3A_5 = arith.constant 0 : index
    %get3A_6 = arith.constant 0 : index
    %get3A_7 = vector.load %arg3[%get3A_5, %get3A_6] : memref<16x32xf32, #tpu.memory_space<vmem>>, vector<16x32xf32>
    %dot_general3A = arith.constant dense<0.000000e+00> : vector<640x32xf32>
    %dot_general3A_8 = tpu.matmul %get3A_1, %get3A_7, %dot_general3A {dimension_numbers = #tpu.dot_dimension_numbers<[1], [0], [0], [1], [0, 0, 1, 1], [], []>, transpose_lhs_hint = false} : vector<640x16xf32>, vector<16x32xf32>, vector<640x32xf32> -> vector<640x32xf32>
    %get3A_9 = arith.constant 0 : index
    %get3A_10 = arith.constant 0 : index
    %get3A_11 = vector.load %arg4[%get3A_9, %get3A_10] : memref<1x32xf32, #tpu.memory_space<vmem>>, vector<1x32xf32>
    %add3A = vector.broadcast %get3A_11 : vector<1x32xf32> to vector<640x32xf32>
    %add3A_12 = arith.addf %dot_general3A_8, %add3A : vector<640x32xf32>
    %max3A = arith.constant 0.000000e+00 : f32
    %max3A_13 = vector.broadcast %max3A : f32 to vector<640x32xf32>
    %max3A_14 = arith.maximumf %add3A_12, %max3A_13 : vector<640x32xf32>
    %get3A_15 = arith.constant 0 : index
    %get3A_16 = arith.constant 0 : index
    %get3A_17 = vector.load %arg7[%get3A_15, %get3A_16] : memref<32x1024xf32, #tpu.memory_space<vmem>>, vector<32x1024xf32>
    %dot_general3A_18 = arith.constant dense<0.000000e+00> : vector<640x1024xf32>
    %dot_general3A_19 = tpu.matmul %max3A_14, %get3A_17, %dot_general3A_18 {dimension_numbers = #tpu.dot_dimension_numbers<[1], [0], [0], [1], [0, 0, 1, 1], [], []>, transpose_lhs_hint = false} : vector<640x32xf32>, vector<32x1024xf32>, vector<640x1024xf32> -> vector<640x1024xf32>
    %tile3A = tpu.concatenate %get3A_4, %get3A_4, %get3A_4, %get3A_4, %get3A_4, %get3A_4, %get3A_4, %get3A_4, %get3A_4, %get3A_4, %get3A_4, %get3A_4, %get3A_4, %get3A_4, %get3A_4, %get3A_4, %get3A_4, %get3A_4, %get3A_4, %get3A_4, %get3A_4, %get3A_4, %get3A_4, %get3A_4, %get3A_4, %get3A_4, %get3A_4, %get3A_4, %get3A_4, %get3A_4, %get3A_4, %get3A_4 in 1 : vector<640x32xf32>, vector<640x32xf32>, vector<640x32xf32>, vector<640x32xf32>, vector<640x32xf32>, vector<640x32xf32>, vector<640x32xf32>, vector<640x32xf32>, vector<640x32xf32>, vector<640x32xf32>, vector<640x32xf32>, vector<640x32xf32>, vector<640x32xf32>, vector<640x32xf32>, vector<640x32xf32>, vector<640x32xf32>, vector<640x32xf32>, vector<640x32xf32>, vector<640x32xf32>, vector<640x32xf32>, vector<640x32xf32>, vector<640x32xf32>, vector<640x32xf32>, vector<640x32xf32>, vector<640x32xf32>, vector<640x32xf32>, vector<640x32xf32>, vector<640x32xf32>, vector<640x32xf32>, vector<640x32xf32>, vector<640x32xf32>, vector<640x32xf32> -> vector<640x1024xf32>
    %mul3A = arith.mulf %dot_general3A_19, %tile3A : vector<640x1024xf32>
    %get3A_20 = arith.constant 0 : index
    %get3A_21 = arith.constant 0 : index
    %get3A_22 = vector.load %arg5[%get3A_20, %get3A_21] : memref<1024x32xf32, #tpu.memory_space<vmem>>, vector<1024x32xf32>
    %dot_general3A_23 = arith.constant dense<0.000000e+00> : vector<640x32xf32>
    %dot_general3A_24 = tpu.matmul %mul3A, %get3A_22, %dot_general3A_23 {dimension_numbers = #tpu.dot_dimension_numbers<[1], [0], [0], [1], [0, 0, 1, 1], [], []>, transpose_lhs_hint = false} : vector<640x1024xf32>, vector<1024x32xf32>, vector<640x32xf32> -> vector<640x32xf32>
    %get3A_25 = arith.constant 0 : index
    %get3A_26 = arith.constant 0 : index
    %get3A_27 = vector.load %arg6[%get3A_25, %get3A_26] : memref<32x32xf32, #tpu.memory_space<vmem>>, vector<32x32xf32>
    %dot_general3A_28 = arith.constant dense<0.000000e+00> : vector<640x32xf32>
    %dot_general3A_29 = tpu.matmul %get3A_4, %get3A_27, %dot_general3A_28 {dimension_numbers = #tpu.dot_dimension_numbers<[1], [0], [0], [1], [0, 0, 1, 1], [], []>, transpose_lhs_hint = false} : vector<640x32xf32>, vector<32x32xf32>, vector<640x32xf32> -> vector<640x32xf32>
    %add3A_30 = arith.addf %dot_general3A_24, %dot_general3A_29 : vector<640x32xf32>
    %broadcast_in_dim3A = arith.constant 1.000000e+00 : f32
    %broadcast_in_dim3A_31 = vector.broadcast %broadcast_in_dim3A : f32 to vector<640x1xf32>
    %broadcast_in_dim3A_32 = arith.constant 0.000000e+00 : f32
    %broadcast_in_dim3A_33 = vector.broadcast %broadcast_in_dim3A_32 : f32 to vector<640x15xf32>
    %concatenate3A = tpu.concatenate %add3A_30, %broadcast_in_dim3A_31, %broadcast_in_dim3A_33 in 1 : vector<640x32xf32>, vector<640x1xf32>, vector<640x15xf32> -> vector<640x48xf32>
    %swap3A = arith.constant 0 : index
    %swap3A_34 = arith.constant 0 : index
    %swap3A_35 = vector.load %arg8[%swap3A, %swap3A_34] : memref<640x48xf32, #tpu.memory_space<vmem>>, vector<640x48xf32>
    tpu.vector_store %arg8[%swap3A, %swap3A_34], %concatenate3A {strides = array<i32>} : memref<640x48xf32, #tpu.memory_space<vmem>>, vector<640x48xf32>,
    return
  }
  func.func @transform_0(%arg0: i32) -> (i32, i32) {
    %c0_i32 = arith.constant 0 : i32
    %c0_i32_0 = arith.constant 0 : i32
    return %arg0, %c0_i32 : i32, i32
  }
  func.func @transform_1(%arg0: i32) -> (i32, i32) {
    %c0_i32 = arith.constant 0 : i32
    %c0_i32_0 = arith.constant 0 : i32
    return %arg0, %c0_i32 : i32, i32
  }
  func.func @transform_2(%arg0: i32) -> (i32, i32) {
    %c0_i32 = arith.constant 0 : i32
    %c0_i32_0 = arith.constant 0 : i32
    %c0_i32_1 = arith.constant 0 : i32
    return %c0_i32, %c0_i32_0 : i32, i32
  }
  func.func @transform_3(%arg0: i32) -> (i32, i32) {
    %c0_i32 = arith.constant 0 : i32
    %c0_i32_0 = arith.constant 0 : i32
    %c0_i32_1 = arith.constant 0 : i32
    return %c0_i32, %c0_i32_0 : i32, i32
  }
  func.func @transform_4(%arg0: i32) -> (i32, i32) {
    %c0_i32 = arith.constant 0 : i32
    %c0_i32_0 = arith.constant 0 : i32
    %c0_i32_1 = arith.constant 0 : i32
    return %c0_i32, %c0_i32_0 : i32, i32
  }
  func.func @transform_5(%arg0: i32) -> (i32, i32) {
    %c0_i32 = arith.constant 0 : i32
    %c0_i32_0 = arith.constant 0 : i32
    %c0_i32_1 = arith.constant 0 : i32
    return %c0_i32, %c0_i32_0 : i32, i32
  }
  func.func @transform_6(%arg0: i32) -> (i32, i32) {
    %c0_i32 = arith.constant 0 : i32
    %c0_i32_0 = arith.constant 0 : i32
    %c0_i32_1 = arith.constant 0 : i32
    return %c0_i32, %c0_i32_0 : i32, i32
  }
  func.func @transform_7(%arg0: i32) -> (i32, i32) {
    %c0_i32 = arith.constant 0 : i32
    %c0_i32_0 = arith.constant 0 : i32
    return %arg0, %c0_i32 : i32, i32
  }
}

module attributes {stable_mosaic.version = 14 : i64} {
  func.func @_node1_body(%arg0: memref<2x10000x48xf32, #tpu.memory_space<vmem>>, %arg1: memref<10000x32xf32, #tpu.memory_space<vmem>>, %arg2: memref<32x32xf32, #tpu.memory_space<vmem>>, %arg3: memref<1x32xf32, #tpu.memory_space<vmem>>, %arg4: memref<10000x32xf32, #tpu.memory_space<vmem>>, %arg5: memref<10000x1xf32, #tpu.memory_space<vmem>>) attributes {dimension_semantics = [], scalar_prefetch = 0 : i64, scratch_operands = 0 : i64, tpu.core_type = #tpu.core_type<tc>} {
    %get3A = arith.constant 0 : index
    %get3A_0 = arith.constant 0 : index
    %get3A_1 = arith.constant 0 : index
    %get3A_2 = vector.load %arg0[%get3A, %get3A_0, %get3A_1] : memref<2x10000x48xf32, #tpu.memory_space<vmem>>, vector<1x10000x48xf32>
    %get3A_3 = vector.shape_cast %get3A_2 : vector<1x10000x48xf32> to vector<10000x48xf32>
    %get3A_4 = arith.constant 1 : index
    %get3A_5 = arith.constant 0 : index
    %get3A_6 = arith.constant 0 : index
    %get3A_7 = vector.load %arg0[%get3A_4, %get3A_5, %get3A_6] : memref<2x10000x48xf32, #tpu.memory_space<vmem>>, vector<1x10000x48xf32>
    %get3A_8 = vector.shape_cast %get3A_7 : vector<1x10000x48xf32> to vector<10000x48xf32>
    %add3A = arith.addf %get3A_3, %get3A_8 : vector<10000x48xf32>
    %slice3A = vector.extract_strided_slice %add3A {offsets = [0, 32], sizes = [10000, 1], strides = [1, 1]} : vector<10000x48xf32> to vector<10000x1xf32>
    %max3A = arith.constant 1.000000e+00 : f32
    %max3A_9 = vector.broadcast %max3A : f32 to vector<10000x1xf32>
    %max3A_10 = arith.maximumf %slice3A, %max3A_9 : vector<10000x1xf32>
    %slice3A_11 = vector.extract_strided_slice %add3A {offsets = [0, 0], sizes = [10000, 32], strides = [1, 1]} : vector<10000x48xf32> to vector<10000x32xf32>
    %div3A = vector.broadcast %max3A_10 : vector<10000x1xf32> to vector<10000x32xf32>
    %div3A_12 = arith.divf %slice3A_11, %div3A : vector<10000x32xf32>
    %get3A_13 = arith.constant 0 : index
    %get3A_14 = arith.constant 0 : index
    %get3A_15 = vector.load %arg1[%get3A_13, %get3A_14] : memref<10000x32xf32, #tpu.memory_space<vmem>>, vector<10000x32xf32>
    %get3A_16 = arith.constant 0 : index
    %get3A_17 = arith.constant 0 : index
    %get3A_18 = vector.load %arg2[%get3A_16, %get3A_17] : memref<32x32xf32, #tpu.memory_space<vmem>>, vector<32x32xf32>
    %dot_general3A = arith.constant dense<0.000000e+00> : vector<10000x32xf32>
    %dot_general3A_19 = tpu.matmul %get3A_15, %get3A_18, %dot_general3A {dimension_numbers = #tpu.dot_dimension_numbers<[1], [0], [0], [1], [0, 0, 1, 1], [], []>, transpose_lhs_hint = false} : vector<10000x32xf32>, vector<32x32xf32>, vector<10000x32xf32> -> vector<10000x32xf32>
    %add3A_20 = arith.addf %div3A_12, %dot_general3A_19 : vector<10000x32xf32>
    %get3A_21 = arith.constant 0 : index
    %get3A_22 = arith.constant 0 : index
    %get3A_23 = vector.load %arg3[%get3A_21, %get3A_22] : memref<1x32xf32, #tpu.memory_space<vmem>>, vector<1x32xf32>
    %add3A_24 = vector.broadcast %get3A_23 : vector<1x32xf32> to vector<10000x32xf32>
    %add3A_25 = arith.addf %add3A_20, %add3A_24 : vector<10000x32xf32>
    %max3A_26 = arith.constant 0.000000e+00 : f32
    %max3A_27 = vector.broadcast %max3A_26 : f32 to vector<10000x32xf32>
    %max3A_28 = arith.maximumf %add3A_25, %max3A_27 : vector<10000x32xf32>
    %swap3A = arith.constant 0 : index
    %swap3A_29 = arith.constant 0 : index
    %swap3A_30 = vector.load %arg4[%swap3A, %swap3A_29] : memref<10000x32xf32, #tpu.memory_space<vmem>>, vector<10000x32xf32>
    tpu.vector_store %arg4[%swap3A, %swap3A_29], %max3A_28 {strides = array<i32>} : memref<10000x32xf32, #tpu.memory_space<vmem>>, vector<10000x32xf32>,
    %swap3A_31 = arith.constant 0 : index
    %swap3A_32 = arith.constant 0 : index
    %swap3A_33 = vector.load %arg5[%swap3A_31, %swap3A_32] : memref<10000x1xf32, #tpu.memory_space<vmem>>, vector<10000x1xf32>
    tpu.vector_store %arg5[%swap3A_31, %swap3A_32], %slice3A {strides = array<i32>} : memref<10000x1xf32, #tpu.memory_space<vmem>>, vector<10000x1xf32>,
    return
  }
}

module attributes {stable_mosaic.version = 14 : i64} {
  func.func @_edges_body(%arg0: i32, %arg1: memref<640x16xf32, #tpu.memory_space<vmem>>, %arg2: memref<640x32xf32, #tpu.memory_space<vmem>>, %arg3: memref<16x32xf32, #tpu.memory_space<vmem>>, %arg4: memref<1x32xf32, #tpu.memory_space<vmem>>, %arg5: memref<1024x32xf32, #tpu.memory_space<vmem>>, %arg6: memref<32x32xf32, #tpu.memory_space<vmem>>, %arg7: memref<32x1024xf32, #tpu.memory_space<vmem>>, %arg8: memref<640x32xf32, #tpu.memory_space<vmem>>) attributes {dimension_semantics = [#tpu.dimension_semantics<arbitrary>], iteration_bounds = array<i64: 250>, scalar_prefetch = 0 : i64, scratch_operands = 0 : i64, tpu.core_type = #tpu.core_type<tc>, window_params = [{transform_indices = @transform_0, window_bounds = array<i64: 640, 16>}, {transform_indices = @transform_1, window_bounds = array<i64: 640, 32>}, {pipeline_mode = #tpu.pipeline_mode<synchronous>, transform_indices = @transform_2, window_bounds = array<i64: 16, 32>}, {pipeline_mode = #tpu.pipeline_mode<synchronous>, transform_indices = @transform_3, window_bounds = array<i64: 1, 32>}, {pipeline_mode = #tpu.pipeline_mode<synchronous>, transform_indices = @transform_4, window_bounds = array<i64: 1024, 32>}, {pipeline_mode = #tpu.pipeline_mode<synchronous>, transform_indices = @transform_5, window_bounds = array<i64: 32, 32>}, {pipeline_mode = #tpu.pipeline_mode<synchronous>, transform_indices = @transform_6, window_bounds = array<i64: 32, 1024>}, {transform_indices = @transform_7, window_bounds = array<i64: 640, 32>}]} {
    %get3A = arith.constant 0 : index
    %get3A_0 = arith.constant 0 : index
    %get3A_1 = vector.load %arg1[%get3A, %get3A_0] : memref<640x16xf32, #tpu.memory_space<vmem>>, vector<640x16xf32>
    %get3A_2 = arith.constant 0 : index
    %get3A_3 = arith.constant 0 : index
    %get3A_4 = vector.load %arg2[%get3A_2, %get3A_3] : memref<640x32xf32, #tpu.memory_space<vmem>>, vector<640x32xf32>
    %get3A_5 = arith.constant 0 : index
    %get3A_6 = arith.constant 0 : index
    %get3A_7 = vector.load %arg3[%get3A_5, %get3A_6] : memref<16x32xf32, #tpu.memory_space<vmem>>, vector<16x32xf32>
    %dot_general3A = arith.constant dense<0.000000e+00> : vector<640x32xf32>
    %dot_general3A_8 = tpu.matmul %get3A_1, %get3A_7, %dot_general3A {dimension_numbers = #tpu.dot_dimension_numbers<[1], [0], [0], [1], [0, 0, 1, 1], [], []>, transpose_lhs_hint = false} : vector<640x16xf32>, vector<16x32xf32>, vector<640x32xf32> -> vector<640x32xf32>
    %get3A_9 = arith.constant 0 : index
    %get3A_10 = arith.constant 0 : index
    %get3A_11 = vector.load %arg4[%get3A_9, %get3A_10] : memref<1x32xf32, #tpu.memory_space<vmem>>, vector<1x32xf32>
    %add3A = vector.broadcast %get3A_11 : vector<1x32xf32> to vector<640x32xf32>
    %add3A_12 = arith.addf %dot_general3A_8, %add3A : vector<640x32xf32>
    %max3A = arith.constant 0.000000e+00 : f32
    %max3A_13 = vector.broadcast %max3A : f32 to vector<640x32xf32>
    %max3A_14 = arith.maximumf %add3A_12, %max3A_13 : vector<640x32xf32>
    %get3A_15 = arith.constant 0 : index
    %get3A_16 = arith.constant 0 : index
    %get3A_17 = vector.load %arg7[%get3A_15, %get3A_16] : memref<32x1024xf32, #tpu.memory_space<vmem>>, vector<32x1024xf32>
    %dot_general3A_18 = arith.constant dense<0.000000e+00> : vector<640x1024xf32>
    %dot_general3A_19 = tpu.matmul %max3A_14, %get3A_17, %dot_general3A_18 {dimension_numbers = #tpu.dot_dimension_numbers<[1], [0], [0], [1], [0, 0, 1, 1], [], []>, transpose_lhs_hint = false} : vector<640x32xf32>, vector<32x1024xf32>, vector<640x1024xf32> -> vector<640x1024xf32>
    %tile3A = tpu.concatenate %get3A_4, %get3A_4, %get3A_4, %get3A_4, %get3A_4, %get3A_4, %get3A_4, %get3A_4, %get3A_4, %get3A_4, %get3A_4, %get3A_4, %get3A_4, %get3A_4, %get3A_4, %get3A_4, %get3A_4, %get3A_4, %get3A_4, %get3A_4, %get3A_4, %get3A_4, %get3A_4, %get3A_4, %get3A_4, %get3A_4, %get3A_4, %get3A_4, %get3A_4, %get3A_4, %get3A_4, %get3A_4 in 1 : vector<640x32xf32>, vector<640x32xf32>, vector<640x32xf32>, vector<640x32xf32>, vector<640x32xf32>, vector<640x32xf32>, vector<640x32xf32>, vector<640x32xf32>, vector<640x32xf32>, vector<640x32xf32>, vector<640x32xf32>, vector<640x32xf32>, vector<640x32xf32>, vector<640x32xf32>, vector<640x32xf32>, vector<640x32xf32>, vector<640x32xf32>, vector<640x32xf32>, vector<640x32xf32>, vector<640x32xf32>, vector<640x32xf32>, vector<640x32xf32>, vector<640x32xf32>, vector<640x32xf32>, vector<640x32xf32>, vector<640x32xf32>, vector<640x32xf32>, vector<640x32xf32>, vector<640x32xf32>, vector<640x32xf32>, vector<640x32xf32>, vector<640x32xf32> -> vector<640x1024xf32>
    %mul3A = arith.mulf %dot_general3A_19, %tile3A : vector<640x1024xf32>
    %get3A_20 = arith.constant 0 : index
    %get3A_21 = arith.constant 0 : index
    %get3A_22 = vector.load %arg5[%get3A_20, %get3A_21] : memref<1024x32xf32, #tpu.memory_space<vmem>>, vector<1024x32xf32>
    %dot_general3A_23 = arith.constant dense<0.000000e+00> : vector<640x32xf32>
    %dot_general3A_24 = tpu.matmul %mul3A, %get3A_22, %dot_general3A_23 {dimension_numbers = #tpu.dot_dimension_numbers<[1], [0], [0], [1], [0, 0, 1, 1], [], []>, transpose_lhs_hint = false} : vector<640x1024xf32>, vector<1024x32xf32>, vector<640x32xf32> -> vector<640x32xf32>
    %get3A_25 = arith.constant 0 : index
    %get3A_26 = arith.constant 0 : index
    %get3A_27 = vector.load %arg6[%get3A_25, %get3A_26] : memref<32x32xf32, #tpu.memory_space<vmem>>, vector<32x32xf32>
    %dot_general3A_28 = arith.constant dense<0.000000e+00> : vector<640x32xf32>
    %dot_general3A_29 = tpu.matmul %get3A_4, %get3A_27, %dot_general3A_28 {dimension_numbers = #tpu.dot_dimension_numbers<[1], [0], [0], [1], [0, 0, 1, 1], [], []>, transpose_lhs_hint = false} : vector<640x32xf32>, vector<32x32xf32>, vector<640x32xf32> -> vector<640x32xf32>
    %add3A_30 = arith.addf %dot_general3A_24, %dot_general3A_29 : vector<640x32xf32>
    %swap3A = arith.constant 0 : index
    %swap3A_31 = arith.constant 0 : index
    %swap3A_32 = vector.load %arg8[%swap3A, %swap3A_31] : memref<640x32xf32, #tpu.memory_space<vmem>>, vector<640x32xf32>
    tpu.vector_store %arg8[%swap3A, %swap3A_31], %add3A_30 {strides = array<i32>} : memref<640x32xf32, #tpu.memory_space<vmem>>, vector<640x32xf32>,
    return
  }
  func.func @transform_0(%arg0: i32) -> (i32, i32) {
    %c0_i32 = arith.constant 0 : i32
    %c0_i32_0 = arith.constant 0 : i32
    return %arg0, %c0_i32 : i32, i32
  }
  func.func @transform_1(%arg0: i32) -> (i32, i32) {
    %c0_i32 = arith.constant 0 : i32
    %c0_i32_0 = arith.constant 0 : i32
    return %arg0, %c0_i32 : i32, i32
  }
  func.func @transform_2(%arg0: i32) -> (i32, i32) {
    %c0_i32 = arith.constant 0 : i32
    %c0_i32_0 = arith.constant 0 : i32
    %c0_i32_1 = arith.constant 0 : i32
    return %c0_i32, %c0_i32_0 : i32, i32
  }
  func.func @transform_3(%arg0: i32) -> (i32, i32) {
    %c0_i32 = arith.constant 0 : i32
    %c0_i32_0 = arith.constant 0 : i32
    %c0_i32_1 = arith.constant 0 : i32
    return %c0_i32, %c0_i32_0 : i32, i32
  }
  func.func @transform_4(%arg0: i32) -> (i32, i32) {
    %c0_i32 = arith.constant 0 : i32
    %c0_i32_0 = arith.constant 0 : i32
    %c0_i32_1 = arith.constant 0 : i32
    return %c0_i32, %c0_i32_0 : i32, i32
  }
  func.func @transform_5(%arg0: i32) -> (i32, i32) {
    %c0_i32 = arith.constant 0 : i32
    %c0_i32_0 = arith.constant 0 : i32
    %c0_i32_1 = arith.constant 0 : i32
    return %c0_i32, %c0_i32_0 : i32, i32
  }
  func.func @transform_6(%arg0: i32) -> (i32, i32) {
    %c0_i32 = arith.constant 0 : i32
    %c0_i32_0 = arith.constant 0 : i32
    %c0_i32_1 = arith.constant 0 : i32
    return %c0_i32, %c0_i32_0 : i32, i32
  }
  func.func @transform_7(%arg0: i32) -> (i32, i32) {
    %c0_i32 = arith.constant 0 : i32
    %c0_i32_0 = arith.constant 0 : i32
    return %arg0, %c0_i32 : i32, i32
  }
}

module attributes {stable_mosaic.version = 14 : i64} {
  func.func @_node2_body(%arg0: memref<2x10000x32xf32, #tpu.memory_space<vmem>>, %arg1: memref<10000x1xf32, #tpu.memory_space<vmem>>, %arg2: memref<10000x32xf32, #tpu.memory_space<vmem>>, %arg3: memref<32x32xf32, #tpu.memory_space<vmem>>, %arg4: memref<1x32xf32, #tpu.memory_space<vmem>>, %arg5: memref<32x1xf32, #tpu.memory_space<vmem>>, %arg6: memref<1x1xf32, #tpu.memory_space<vmem>>, %arg7: memref<10000x1xf32, #tpu.memory_space<vmem>>) attributes {dimension_semantics = [], scalar_prefetch = 0 : i64, scratch_operands = 0 : i64, tpu.core_type = #tpu.core_type<tc>} {
    %get3A = arith.constant 0 : index
    %get3A_0 = arith.constant 0 : index
    %get3A_1 = arith.constant 0 : index
    %get3A_2 = vector.load %arg0[%get3A, %get3A_0, %get3A_1] : memref<2x10000x32xf32, #tpu.memory_space<vmem>>, vector<1x10000x32xf32>
    %get3A_3 = vector.shape_cast %get3A_2 : vector<1x10000x32xf32> to vector<10000x32xf32>
    %get3A_4 = arith.constant 1 : index
    %get3A_5 = arith.constant 0 : index
    %get3A_6 = arith.constant 0 : index
    %get3A_7 = vector.load %arg0[%get3A_4, %get3A_5, %get3A_6] : memref<2x10000x32xf32, #tpu.memory_space<vmem>>, vector<1x10000x32xf32>
    %get3A_8 = vector.shape_cast %get3A_7 : vector<1x10000x32xf32> to vector<10000x32xf32>
    %add3A = arith.addf %get3A_3, %get3A_8 : vector<10000x32xf32>
    %get3A_9 = arith.constant 0 : index
    %get3A_10 = arith.constant 0 : index
    %get3A_11 = vector.load %arg1[%get3A_9, %get3A_10] : memref<10000x1xf32, #tpu.memory_space<vmem>>, vector<10000x1xf32>
    %max3A = arith.constant 1.000000e+00 : f32
    %max3A_12 = vector.broadcast %max3A : f32 to vector<10000x1xf32>
    %max3A_13 = arith.maximumf %get3A_11, %max3A_12 : vector<10000x1xf32>
    %div3A = vector.broadcast %max3A_13 : vector<10000x1xf32> to vector<10000x32xf32>
    %div3A_14 = arith.divf %add3A, %div3A : vector<10000x32xf32>
    %get3A_15 = arith.constant 0 : index
    %get3A_16 = arith.constant 0 : index
    %get3A_17 = vector.load %arg2[%get3A_15, %get3A_16] : memref<10000x32xf32, #tpu.memory_space<vmem>>, vector<10000x32xf32>
    %get3A_18 = arith.constant 0 : index
    %get3A_19 = arith.constant 0 : index
    %get3A_20 = vector.load %arg3[%get3A_18, %get3A_19] : memref<32x32xf32, #tpu.memory_space<vmem>>, vector<32x32xf32>
    %dot_general3A = arith.constant dense<0.000000e+00> : vector<10000x32xf32>
    %dot_general3A_21 = tpu.matmul %get3A_17, %get3A_20, %dot_general3A {dimension_numbers = #tpu.dot_dimension_numbers<[1], [0], [0], [1], [0, 0, 1, 1], [], []>, transpose_lhs_hint = false} : vector<10000x32xf32>, vector<32x32xf32>, vector<10000x32xf32> -> vector<10000x32xf32>
    %add3A_22 = arith.addf %div3A_14, %dot_general3A_21 : vector<10000x32xf32>
    %get3A_23 = arith.constant 0 : index
    %get3A_24 = arith.constant 0 : index
    %get3A_25 = vector.load %arg4[%get3A_23, %get3A_24] : memref<1x32xf32, #tpu.memory_space<vmem>>, vector<1x32xf32>
    %add3A_26 = vector.broadcast %get3A_25 : vector<1x32xf32> to vector<10000x32xf32>
    %add3A_27 = arith.addf %add3A_22, %add3A_26 : vector<10000x32xf32>
    %max3A_28 = arith.constant 0.000000e+00 : f32
    %max3A_29 = vector.broadcast %max3A_28 : f32 to vector<10000x32xf32>
    %max3A_30 = arith.maximumf %add3A_27, %max3A_29 : vector<10000x32xf32>
    %get3A_31 = arith.constant 0 : index
    %get3A_32 = arith.constant 0 : index
    %get3A_33 = vector.load %arg5[%get3A_31, %get3A_32] : memref<32x1xf32, #tpu.memory_space<vmem>>, vector<32x1xf32>
    %dot_general3A_34 = arith.constant dense<0.000000e+00> : vector<10000x1xf32>
    %dot_general3A_35 = tpu.matmul %max3A_30, %get3A_33, %dot_general3A_34 {dimension_numbers = #tpu.dot_dimension_numbers<[1], [0], [0], [1], [0, 0, 1, 1], [], []>, transpose_lhs_hint = false} : vector<10000x32xf32>, vector<32x1xf32>, vector<10000x1xf32> -> vector<10000x1xf32>
    %get3A_36 = arith.constant 0 : index
    %get3A_37 = arith.constant 0 : index
    %get3A_38 = vector.load %arg6[%get3A_36, %get3A_37] : memref<1x1xf32, #tpu.memory_space<vmem>>, vector<1x1xf32>
    %add3A_39 = vector.broadcast %get3A_38 : vector<1x1xf32> to vector<10000x1xf32>
    %add3A_40 = arith.addf %dot_general3A_35, %add3A_39 : vector<10000x1xf32>
    %logistic3A = arith.negf %add3A_40 : vector<10000x1xf32>
    %logistic3A_41 = math.exp %logistic3A : vector<10000x1xf32>
    %logistic3A_42 = arith.constant 1.000000e+00 : f32
    %logistic3A_43 = vector.broadcast %logistic3A_42 : f32 to vector<10000x1xf32>
    %logistic3A_44 = arith.addf %logistic3A_43, %logistic3A_41 : vector<10000x1xf32>
    %logistic3A_45 = arith.divf %logistic3A_43, %logistic3A_44 : vector<10000x1xf32>
    %swap3A = arith.constant 0 : index
    %swap3A_46 = arith.constant 0 : index
    %swap3A_47 = vector.load %arg7[%swap3A, %swap3A_46] : memref<10000x1xf32, #tpu.memory_space<vmem>>, vector<10000x1xf32>
    tpu.vector_store %arg7[%swap3A, %swap3A_46], %logistic3A_45 {strides = array<i32>} : memref<10000x1xf32, #tpu.memory_space<vmem>>, vector<10000x1xf32>,
    return
  }
}

</mosaic_0001>

<sc_bundles>
// kernel: kernel.10.cloned.1.call-start
scs
__scs_entry_jumppad:
0x0: {  	(pc) =	sbr.rel $0x88, $3  }
0x1: {  	(tag) =	ssettag $0x0;
	lr =	simm.s32 $0x1  }
0x2: {  	[smem:$0x3F94] =	sst lr;
	_ =	strace $0xD0000000  }
0x3: {  	_ = 	snop  }
0x4: {  	_ = 	snop  }
0x5: {  	_ = 	snop  }
0x6: {  	_ = 	snop  }
0x7: {  	_ = 	snop  }
__scs_overlays_trampoline_lowered:
0x8: {  	[smem:$0x3FA3] =	sst s0  }
0x9: {  	[smem:$0x3FA4] =	sst s1  }
0xa: {  	[smem:$0x3FA5] =	sst s2  }
0xb: {  	[smem:$0x3FA6] =	sst s3  }
0xc: {  	[smem:$0x3FA7] =	sst s4  }
0xd: {  	[smem:$0x3FA8] =	sst s5  }
0xe: {  	[smem:$0x3FA9] =	sst s6  }
0xf: {  	[smem:$0x3FAA] =	sst s7  }
0x10: {  	[smem:$0x3FAB] =	sst s8  }
0x11: {  	[smem:$0x3FAC] =	sst s9;
	s0 =	simm.s32 @!p0 $0x0  }
0x12: {  	s1 =	sld [smem:$0x3F92];
	s0 =	simm.s32 @p0 $0x1  }
0x13: {  	[smem:$0x3FAD] =	sst s0;
	s0 =	simm.s32 @!p1 $0x0  }
0x14: {  	s2 =	sld [smem:$0x3F91];
	s0 =	simm.s32 @p1 $0x1  }
0x15: {  	[smem:$0x3FAE] =	sst s0;
	s0 =	simm.s32 @!p2 $0x0  }
0x16: {  	s3 =	sld [smem:$0x3FDB];
	s0 =	simm.s32 @p2 $0x1  }
0x17: {  	s4 =	simm.s32 $0x1BF5;
	[smem:$0x3FB0] =	sst s0  }
0x18: {  	s0 =	sld [smem:$0x3F93];
	_ =	swait.ge [sflag:s4], $0x0  }
0x19: {  	s7 =	sld [smem:$0x3F94]  }
0x1a: {  	s8 =	sadd.s32 $0xFFFFE003, lr  }
0x1b: {  	s9 =	sadd.s32 $0xFFFFFEF7, lr;
	s5 =	simm.s32 $0xFFFFFFFF;
	p2 =	slt.u32 s8, $0xFFFFF086  }
0x1c: {  	p1 =	slt.u32 s9, $0xF7A;
	s5 =	simm.s32 @!p2 $0x0  }
0x1d: {  	s5 =	simm.s32 @p1 $0x1;
	p0 =	seq.s32 s7, s2  }
0x1e: {  	s7 =	smul.u32 @!p0 $0xF7A, s2;
	p2 =	seq.s32 @!p0 s5, $0x0  }
0x1f: {  	s9 =	smul.u32 $0xF7A, s1;
	s8 =	simm.s32 @!p0 $0x1BF5;
	p2 =	por !p2, p0  }
0x20: {  	[sflag:s8] =	ssyncset.s32 @!p0 $0xFFFFF086;
	s6 =	sadd.s32 @!p0 s3, s7;
	s7 =	simm.s32 @!p0 $0x108  }
0x21: {  	s3 =	sadd.s32 s3, s9;
	s6 =	sadd.s32 @!p0 $0x88, s6;
	s7 =	simm.s32 @p2 $0x1082  }
0x22: {  	[simem:s7], [sflag:s8] =	dma.local @!p0 [hbm:s6], $0xF7A  }
0x23: {  	s9 =	sor.u32 $0xD0000000, s2;
	s6 =	simm.s32 $0x108;
	_ =	swait.ge @!p0 [sflag:s8], $0x0  }
0x24: {  	s3 =	sadd.s32 $0x88, s3;
	s6 =	simm.s32 @!p1 $0x1082;
	[sflag:s4] =	ssyncset.s32 $0xFFFFF086  }
0x25: {  	[simem:s6], [sflag:s4] =	dma.local [hbm:s3], $0xF7A  }
0x26: {  	[smem:$0x3F94] =	sst s1;
	(tag) =	ssettag s2;
	_ =	strace s9  }
0x27: {  	s1 =	sld [smem:$0x3FA4]  }
0x28: {  	s2 =	sld [smem:$0x3FA5]  }
0x29: {  	s4 =	sld [smem:$0x3FA7]  }
0x2a: {  	p0 =	seq.s32 s5, $0x0;
	s5 =	sld [smem:$0x3FA8]  }
0x2b: {  	s6 =	sld [smem:$0x3FA9]  }
0x2c: {  	s7 =	sld [smem:$0x3FAA]  }
0x2d: {  	s3 =	simm.s32 $0x108;
	s8 =	sld [smem:$0x3FAB]  }
0x2e: {  	s3 =	simm.s32 @!p0 $0x1082;
	s9 =	sld [smem:$0x3FAC]  }
0x2f: {  	lr =	sadd.s32 s0, s3;
	s0 =	sld [smem:$0x3FA3]  }
0x30: {  	s3 =	sld [smem:$0x3FA6]  }
0x31: {  	[smem:$0x3FAF] =	sst s10  }
0x32: {  	s10 =	sld [smem:$0x3FAD];
	_ =	sdelay $0x3  }
0x33: {  	p0 =	seq.s32 s10, $0x1;
	s10 =	sld [smem:$0x3FAF];
	_ =	sdelay $0x3  }
0x34: {  	[smem:$0x3FAF] =	sst s10  }
0x35: {  	s10 =	sld [smem:$0x3FAE];
	_ =	sdelay $0x3  }
0x36: {  	p1 =	seq.s32 s10, $0x1;
	s10 =	sld [smem:$0x3FAF];
	_ =	sdelay $0x3  }
0x37: {  	[smem:$0x3FAF] =	sst s10  }
0x38: {  	s10 =	sld [smem:$0x3FB0]  }
0x39: {  	_ = 	snop;
	(pc) =	sbr.ind lr, $3  }
0x3a: {  	_ = 	snop  }
0x3b: {  	_ = 	snop  }
0x3c: {  	p2 =	seq.s32 s10, $0x1;
	s10 =	sld [smem:$0x3FAF]  }
0x3d: {  	_ =	shalt  }
0x3e: {  	_ =	shalt  }
0x3f: {  	_ =	shalt  }
0x40: {  	_ =	shalt  }
0x41: {  	_ =	shalt  }
0x42: {  	_ =	shalt  }
0x43: {  	_ =	shalt  }
0x44: {  	_ =	shalt  }
0x45: {  	_ =	shalt  }
0x46: {  	_ =	shalt  }
0x47: {  	_ =	shalt  }
0x48: {  	_ =	shalt  }
0x49: {  	_ =	shalt  }
0x4a: {  	_ =	shalt  }
0x4b: {  	_ =	shalt  }
0x4c: {  	_ =	shalt  }
0x4d: {  	_ =	shalt  }
0x4e: {  	_ =	shalt  }
0x4f: {  	_ =	shalt  }
0x50: {  	_ =	shalt  }
0x51: {  	_ =	shalt  }
0x52: {  	_ =	shalt  }
0x53: {  	_ =	shalt  }
0x54: {  	_ =	shalt  }
0x55: {  	_ =	shalt  }
0x56: {  	_ =	shalt  }
0x57: {  	_ =	shalt  }
0x58: {  	_ =	shalt  }
0x59: {  	_ =	shalt  }
0x5a: {  	_ =	shalt  }
0x5b: {  	_ =	shalt  }
0x5c: {  	_ =	shalt  }
0x5d: {  	_ =	shalt  }
0x5e: {  	_ =	shalt  }
0x5f: {  	_ =	shalt  }
0x60: {  	_ =	shalt  }
0x61: {  	_ =	shalt  }
0x62: {  	_ =	shalt  }
0x63: {  	_ =	shalt  }
0x64: {  	_ =	shalt  }
0x65: {  	_ =	shalt  }
0x66: {  	_ =	shalt  }
0x67: {  	_ =	shalt  }
0x68: {  	_ =	shalt  }
0x69: {  	_ =	shalt  }
0x6a: {  	_ =	shalt  }
0x6b: {  	_ =	shalt  }
0x6c: {  	_ =	shalt  }
0x6d: {  	_ =	shalt  }
0x6e: {  	_ =	shalt  }
0x6f: {  	_ =	shalt  }
0x70: {  	_ =	shalt  }
0x71: {  	_ =	shalt  }
0x72: {  	_ =	shalt  }
0x73: {  	_ =	shalt  }
0x74: {  	_ =	shalt  }
0x75: {  	_ =	shalt  }
0x76: {  	_ =	shalt  }
0x77: {  	_ =	shalt  }
0x78: {  	_ =	shalt  }
0x79: {  	_ =	shalt  }
0x7a: {  	_ =	shalt  }
0x7b: {  	_ =	shalt  }
0x7c: {  	_ =	shalt  }
0x7d: {  	_ =	shalt  }
0x7e: {  	_ =	shalt  }
0x7f: {  	_ =	shalt  }
0x80: {  	_ =	shalt  }
0x81: {  	_ =	shalt  }
0x82: {  	_ =	shalt  }
0x83: {  	_ =	shalt  }
0x84: {  	_ =	shalt  }
0x85: {  	_ =	shalt  }
0x86: {  	_ =	shalt  }
0x87: {  	_ =	shalt  }
.Lfunc_end0:
.L_simem_size_0:
called_computation_lowered:
.L_overlay_start_0:
0x88: {  	s2 =	sld [smem:$0x3FD9]  }
0x89: {  	s3 =	sld [smem:$0x3FFE];
	_ =	sdelay $0x1  }
0x8a: {  	s1 =	srdreg.scid  }
0x8b: {  	s0 =	sand.u32 $0x1, s1  }
0x8c: {  	s16 =	sshll.u32 s0, $0xA;
	s2 =	sadd.s32 s3, s2  }
0x8d: {  	s2 =	sadd.s32 s2, s16  }
0x8e: {  	[smem:$0x3FBB] =	sst s2  }
0x8f: {  	_ = 	snop  }
0x90: {  	(tm) =	ssettm $0x1  }
0x91: {  	s17 =	sld [smem:$0x3FFB];
	_ =	sdelay $0x3  }
0x92: {  	_ =	strace s17  }
0x93: {  	s2 =	sld [smem:$0x3FFC];
	_ =	sdelay $0x3  }
0x94: {  	_ =	strace s2  }
0x95: {  	s2 =	sld [smem:$0x3FFD];
	_ =	sdelay $0x3  }
0x96: {  	_ =	strace s2  }
0x97: {  	_ =	strace $0x8FFFFFFF  }
0x98: {  	s18 =	sld [smem:$0x3FDB];
	_ =	sdelay $0x1  }
0x99: {  	s19 =	simm.s32 $_scs_section_size  }
0x9a: {  	s4 =	simm.s32 $_size__tile_overlayer_lowered;
	s5 =	simm.s32 $_tile_overlayer_lowered  }
0x9b: {  	s22 =	simm.s32 $0x1BFF;
	s21 =	sshll.u32 s5, $0x1;
	s2 =	sadd.s32 s19, s18  }
0x9c: {  	s6 =	simm.s32 $0x0;
	s20 =	sshll.u32 s4, $0x1;
	s4 =	sadd.s32 s21, s2  }
0x9d: {  	[timem:s6], [sflag:s22] =	dma.local [hbm:s4], s20  }
0x9e: {  	_ =	swait.ge [sflag:s22], s20  }
0x9f: {  	s3 =	ssub.s32 $0x0, s20;
	[sflag:s22] =	ssyncset.done $0x0  }
0xa0: {  	[sflag:s22] =	ssyncadd.s32 s3;
	_ =	sdelay $0x1  }
0xa1: {  	s23 =	simm.s32 $0x1B8B  }
0xa2: {  	_ =	swait.ge [sflag:s23], $0x1  }
0xa3: {  	[sflag:s23] =	ssyncset.done $0x0  }
0xa4: {  	s25 =	simm.s32 $0x1B8E;
	s24 =	sld [smem:$0x3FFE];
	[sflag:s23] =	ssyncadd.s32 $0xFFFFFFFF  }
0xa5: {  	s26 =	simm.s32 $execute0_lowered;
	[smem:$0x3FD2] =	sst s25  }
0xa6: {  	s4 =	sshll.u32 s26, $0x1;
	_ =	strace $0x80000046;
	[dreg:$0x1] =	wrdreg $0xFFFFFFFF  }
0xa7: {  	s28 =	simm.s32 $_size_execute0_lowered;
	s2 =	sadd.s32 s2, s4;
	[dreg:$0x0] =	wrdreg $0x0  }
0xa8: {  	s4 =	sshll.u32 s28, $0x1;
	[dreg:$0x2] =	wrdreg s2  }
0xa9: {  	[dreg:$0x3] =	wrdreg s4  }
0xaa: {  	[dreg:$0x4] =	wrdreg $0xC0  }
0xab: {  	_ =	task [dreg:s6], $0x5FFFF  }
0xac: {  	[dreg:$0x1] =	wrdreg $0xFFFFFFFF  }
0xad: {  	[dreg:$0x0] =	wrdreg $0x60  }
0xae: {  	[dreg:$0x2] =	wrdreg s24  }
0xaf: {  	[dreg:$0x3] =	wrdreg $0x9  }
0xb0: {  	_ =	task.clear_ibuf [dreg:s6], $0x4FFFF;
	_ =	strace $0x90000046  }
0xb1: {  	s29 =	simm.s32 $0x9;
	_ =	strace $0x80000048  }
0xb2: {  	_ =	swait.ge [sflag:s29], $0x1  }
0xb3: {  	[sflag:s29] =	ssyncadd.s32 $0xFFFFFFFF  }
0xb4: {  	_ =	strace $0x90000048  }
0xb5: {  	_ =	sfence  }
0xb6: {  	s30 =	sld [smem:$0x0];
	_ =	sdelay $0x2  }
0xb7: {  	s31 =	sshll.u32 s1, $0xD;
	s1 =	sshrl.u32 s1, $0x2  }
0xb8: {  	s3 =	sand.u32 $0x4000, s31;
	s1 =	sadd.s32 s1, s30  }
0xb9: {  	s0 =	sor.u32 s3, s0;
	s1 =	sshll.u32 s1, $0x11  }
0xba: {  	s0 =	sor.u32 s1, s0  }
0xbb: {  	s0 =	sadd.s32 $0x8F2B, s0  }
0xbc: {  	[sflag:s0] =	ssyncadd.remote.s32 $0x1  }
0xbd: {  	_ =	sfence.sel $0xFFFF  }
0xbe: {  	[dreg:$0x0] =	wrdreg $0xFFFFFFFF;
	(pc) =	sbr.abs _section_cstart, $3  }
0xbf: {  	[dreg:$0x1] =	wrdreg $0xFFFFFFFF  }
0xc0: {  	_ =	task.clear_ibuf [dreg:s6], $0x2FFFF;
	_ =	strace $0x9FFFFFFF  }
0xc1: {  	(tm) =	ssettm $0x7FFFFFFF  }
tec
execute0_lowered:
.L_overlay_start_1:
0x0: {  	(tag) =	ssettag $0x1  }
0x1: {  	s4 =	rddreg [dreg:$0x0]  }
0x2: {  	s0 =	rddreg [dreg:$0x1];
	s2 =	simm.s32 $0x0;
	s3 =	srdreg.scid  }
0x3: {  	s1 =	stileid.u32;
	s12 =	simm.s32 $0x1;
	s13 =	simm.s32 $0x2388  }
0x4: {  	s14 =	simm.s32 $0x8;
	s15 =	simm.s32 $0x2390;
	s16 =	simm.s32 $0x0  }
0x5: {  	[smem:$0x7FF] =	sst s2;
	s6 =	sand.u32 $0x1, s3;
	s25 =	sshll.u32 s1, $0x1  }
0x6: {  	s3 =	sadd.s32 $0x34C00, s4;
	s8 =	sadd.s32 $0x3A00, s4;
	s11 =	smul.u32 $0x9C40, s1  }
0x7: {  	s9 =	sadd.s32 $0x3EA00, s4;
	s5 =	sor.u32 s6, s25;
	s30 =	smul.u32 $0x4E20, s6  }
0x8: {  	_ =	strace $0x80000047;
	s7 =	ssub.s32 $0x2, s6;
	s5 =	smul.u32 $0x1388, s5  }
0x9: {  	s26 =	sshrl.u32 s7, $0x1;
	s31 =	sadd.s32 s11, s9;
	s11 =	simm.s32 $0x1388  }
0xa: {  	s7 =	ssub.s32 s7, s26;
	s28 =	sshrl.u32 s5, $0x3;
	s10 =	sadd.s32 $0x1380, s5  }
0xb: {  	s7 =	smax.u32 s7, $0x1;
	s4 =	sadd.s32 s8, s28;
	s5 =	sshrl.u32 s10, $0x3  }
0xc: {  	s29 =	sshll.u32 s10, $0x2;
	s10 =	simm.s32 $0x80;
	s5 =	sadd.s32 s8, s5  }
0xd: {  	s6 =	sadd.s32 s9, s29;
	s8 =	sadd.s32 s30, s31;
	s9 =	simm.s32 $0x2  }
.LBB2_1:
0xe: {  	[tilespmem:s2], [sflag:$0x2] =	stream.linear.gather [hbm4b:s4+s2], $0x1388, $0x38;
	[tilespmem:$0x2490] =	vst v63  }
0xf: {  	_ =	swait.ge [sflag:s9], $0x1388  }
0x10: {  	[sflag:s9] =	ssyncset.done $0x0  }
0x11: {  	s17 =	simm.s32 $0x0;
	[sflag:s9] =	ssyncadd.s32 $0xFFFFEC78  }
0x12: {  	[tilespmem:s11], [sflag:$0x1] =	stream.indirect.gather [hbm4b:s3+s10], $0x20, s17, s10, $0xb8;
	[tilespmem:$0x2490] =	vst v63  }
0x13: {  	_ =	swait.ge [sflag:s12], $0x1000  }
0x14: {  	[sflag:s12] =	ssyncset.done $0x0  }
0x15: {  	s31 =	sadd.s32 $0x0, s8;
	[sflag:s12] =	ssyncadd.s32 $0xFFFFF000  }
0x16: {  	[hbm4b:s31+s2] =	stream.linear.scatter [tilespmem:s11], [sflag:$0x2], $0x1000, $0x38;
	[tilespmem:$0x2490] =	vst v63  }
0x17: {  	_ =	swait.ge [sflag:s9], $0x1000  }
0x18: {  	s18 =	simm.s32 $0x400;
	s17 =	simm.s32 $0x200;
	[sflag:s9] =	ssyncset.done $0x0  }
.LBB2_2:
0x19: {  	s19 =	sshra.s32 s17, $0x2  }
0x1a: {  	[sflag:s9] =	ssyncadd.s32 $0xFFFFF000;
	s20 =	smov.u32 s18;
	s21 =	sadd.s32 $0x200, s18  }
0x1b: {  	[tilespmem:s11], [sflag:$0x1] =	stream.indirect.gather [hbm4b:s3+s10], $0x20, s19, s10, $0xb8;
	[tilespmem:$0x2490] =	vst v63  }
0x1c: {  	p0 =	sne.s32 s18, $0x4C00;
	_ =	swait.ge [sflag:s12], $0x1000  }
.Ltmp0:
0x1d: {  	[sflag:s12] =	ssyncset.done $0x0;
	(pc) =	sbr.rel @p0 .LBB2_2-.Ltmp0, $4  }
0x1e: {  	s18 =	sadd.s32 s17, s8;
	s17 =	smov.u32 s20;
	[sflag:s12] =	ssyncadd.s32 $0xFFFFF000  }
0x1f: {  	[hbm4b:s18+s2] =	stream.linear.scatter [tilespmem:s11], [sflag:$0x2], $0x1000, $0x38;
	[tilespmem:$0x2490] =	vst v63  }
0x20: {  	_ =	swait.ge [sflag:s9], $0x1000  }
0x21: {  	s18 =	smov.u32 s21;
	[sflag:s9] =	ssyncset.done $0x0  }
0x22: {  	s18 =	sshra.s32 s17, $0x2;
	[sflag:s9] =	ssyncadd.s32 $0xFFFFF000  }
0x23: {  	[tilespmem:s11], [sflag:$0x1] =	stream.indirect.gather [hbm4b:s3+s10], $0x20, s18, s10, $0xb8;
	[tilespmem:$0x2490] =	vst v63  }
0x24: {  	_ =	swait.ge [sflag:s12], $0x1000  }
0x25: {  	[sflag:s12] =	ssyncset.done $0x0  }
0x26: {  	s31 =	sadd.s32 s17, s8;
	[sflag:s12] =	ssyncadd.s32 $0xFFFFF000  }
0x27: {  	[hbm4b:s31+s2] =	stream.linear.scatter [tilespmem:s11], [sflag:$0x2], $0x1000, $0x38;
	[tilespmem:$0x2490] =	vst v63  }
0x28: {  	_ =	swait.ge [sflag:s9], $0x1000  }
0x29: {  	[sflag:s9] =	ssyncset.done $0x0  }
0x2a: {  	[sflag:s9] =	ssyncadd.s32 $0xFFFFF000  }
0x2b: {  	[tilespmem:s13], [sflag:$0x2] =	stream.linear.gather [hbm4b:s5+s2], $0x8, $0x38;
	[tilespmem:$0x2490] =	vst v63  }
0x2c: {  	_ =	swait.ge [sflag:s9], $0x8  }
0x2d: {  	[sflag:s9] =	ssyncset.done $0x0  }
0x2e: {  	[sflag:s9] =	ssyncadd.s32 $0xFFFFFFF8  }
0x2f: {  	[tilespmem:s15], [sflag:$0x1] =	stream.indirect.gather [hbm4b:s3+s14], $0x20, s13, s14, $0xb8;
	[tilespmem:$0x2490] =	vst v63  }
0x30: {  	s16 =	sadd.s32 $0x1, s16;
	_ =	swait.ge [sflag:s12], $0x100  }
0x31: {  	p0 =	sne.s32 s16, s7;
	[sflag:s12] =	ssyncset.done $0x0  }
.Ltmp1:
0x32: {  	[sflag:s12] =	ssyncadd.s32 $0xFFFFFF00;
	(pc) =	sbr.rel @p0 .LBB2_1-.Ltmp1, $4  }
0x33: {  	[hbm4b:s6+s2] =	stream.linear.scatter [tilespmem:s15], [sflag:$0x2], $0x100, $0x38;
	[tilespmem:$0x2490] =	vst v63  }
0x34: {  	_ =	swait.ge [sflag:s9], $0x100  }
0x35: {  	[sflag:s9] =	ssyncset.done $0x0  }
0x36: {  	[sflag:s9] =	ssyncadd.s32 $0xFFFFFF00  }
0x37: {  	_ =	sfence.sel $0x180000  }
0x38: {  	[bflag:$0x0] =	sbarrier.arrive $0xFFFF  }
0x39: {  	p0 =	sne.s32 s1, $0x0;
	_ =	strace $0x90000047  }
0x3a: {  	s0 =	sadd.s32 @!p0 $0x100000, s0;
	[bflag:$0x2] =	sbarrier.arrive $0xFFFF  }
0x3b: {  	[sflag:s0] =	ssyncadd.tile.s32 @!p0 $0x1;
	_ =	shalt  }
.Lfunc_end2:
_tile_overlayer_lowered:
.L_overlay_start_2:
0x3c: {  	(tag) =	ssettag $0x2  }
0x3d: {  	s0 =	rddreg [dreg:$0x0];
	s2 =	stileid.u32  }
0x3e: {  	s1 =	rddreg [dreg:$0x1];
	p0 =	sne.s32 s2, $0x0  }
0x3f: {  	s3 =	rddreg [dreg:$0x2];
	[bflag:$0x3] =	sbarrier.arrive $0xFFFF;
	s2 =	simm.s32 @!p0 $0x1C02  }
0x40: {  	[timem:s3], [sflag:s2] =	dma.local @!p0 [hbm:s0], s1  }
0x41: {  	s0 =	simm.s32 @!p0 $0x2  }
0x42: {  	_ =	swait.ge @!p0 [sflag:s0], s1  }
0x43: {  	s1 =	ssub.s32 @!p0 $0x0, s1;
	[sflag:s0] =	ssyncset.done @!p0 $0x0  }
0x44: {  	[sflag:s0] =	ssyncadd.s32 @!p0 s1  }
0x45: {  	[bflag:$0x3] =	sbarrier.arrive $0xFFFF  }
0x46: {  	_ =	shalt  }

// kernel: kernel.13.cloned.1.call-start
scs
__scs_entry_jumppad:
0x0: {  	(pc) =	sbr.rel $0x88, $3  }
0x1: {  	(tag) =	ssettag $0x0;
	lr =	simm.s32 $0x1  }
0x2: {  	[smem:$0x3F94] =	sst lr;
	_ =	strace $0xD0000000  }
0x3: {  	_ = 	snop  }
0x4: {  	_ = 	snop  }
0x5: {  	_ = 	snop  }
0x6: {  	_ = 	snop  }
0x7: {  	_ = 	snop  }
__scs_overlays_trampoline_lowered:
0x8: {  	[smem:$0x3FA3] =	sst s0  }
0x9: {  	[smem:$0x3FA4] =	sst s1  }
0xa: {  	[smem:$0x3FA5] =	sst s2  }
0xb: {  	[smem:$0x3FA6] =	sst s3  }
0xc: {  	[smem:$0x3FA7] =	sst s4  }
0xd: {  	[smem:$0x3FA8] =	sst s5  }
0xe: {  	[smem:$0x3FA9] =	sst s6  }
0xf: {  	[smem:$0x3FAA] =	sst s7  }
0x10: {  	[smem:$0x3FAB] =	sst s8  }
0x11: {  	[smem:$0x3FAC] =	sst s9;
	s0 =	simm.s32 @!p0 $0x0  }
0x12: {  	s1 =	sld [smem:$0x3F92];
	s0 =	simm.s32 @p0 $0x1  }
0x13: {  	[smem:$0x3FAD] =	sst s0;
	s0 =	simm.s32 @!p1 $0x0  }
0x14: {  	s2 =	sld [smem:$0x3F91];
	s0 =	simm.s32 @p1 $0x1  }
0x15: {  	[smem:$0x3FAE] =	sst s0;
	s0 =	simm.s32 @!p2 $0x0  }
0x16: {  	s3 =	sld [smem:$0x3FDB];
	s0 =	simm.s32 @p2 $0x1  }
0x17: {  	s4 =	simm.s32 $0x1BF5;
	[smem:$0x3FB0] =	sst s0  }
0x18: {  	s0 =	sld [smem:$0x3F93];
	_ =	swait.ge [sflag:s4], $0x0  }
0x19: {  	s7 =	sld [smem:$0x3F94]  }
0x1a: {  	s8 =	sadd.s32 $0xFFFFE003, lr  }
0x1b: {  	s9 =	sadd.s32 $0xFFFFFEF7, lr;
	s5 =	simm.s32 $0xFFFFFFFF;
	p2 =	slt.u32 s8, $0xFFFFF086  }
0x1c: {  	p1 =	slt.u32 s9, $0xF7A;
	s5 =	simm.s32 @!p2 $0x0  }
0x1d: {  	s5 =	simm.s32 @p1 $0x1;
	p0 =	seq.s32 s7, s2  }
0x1e: {  	s7 =	smul.u32 @!p0 $0xF7A, s2;
	p2 =	seq.s32 @!p0 s5, $0x0  }
0x1f: {  	s9 =	smul.u32 $0xF7A, s1;
	s8 =	simm.s32 @!p0 $0x1BF5;
	p2 =	por !p2, p0  }
0x20: {  	[sflag:s8] =	ssyncset.s32 @!p0 $0xFFFFF086;
	s6 =	sadd.s32 @!p0 s3, s7;
	s7 =	simm.s32 @!p0 $0x108  }
0x21: {  	s3 =	sadd.s32 s3, s9;
	s6 =	sadd.s32 @!p0 $0x88, s6;
	s7 =	simm.s32 @p2 $0x1082  }
0x22: {  	[simem:s7], [sflag:s8] =	dma.local @!p0 [hbm:s6], $0xF7A  }
0x23: {  	s9 =	sor.u32 $0xD0000000, s2;
	s6 =	simm.s32 $0x108;
	_ =	swait.ge @!p0 [sflag:s8], $0x0  }
0x24: {  	s3 =	sadd.s32 $0x88, s3;
	s6 =	simm.s32 @!p1 $0x1082;
	[sflag:s4] =	ssyncset.s32 $0xFFFFF086  }
0x25: {  	[simem:s6], [sflag:s4] =	dma.local [hbm:s3], $0xF7A  }
0x26: {  	[smem:$0x3F94] =	sst s1;
	(tag) =	ssettag s2;
	_ =	strace s9  }
0x27: {  	s1 =	sld [smem:$0x3FA4]  }
0x28: {  	s2 =	sld [smem:$0x3FA5]  }
0x29: {  	s4 =	sld [smem:$0x3FA7]  }
0x2a: {  	p0 =	seq.s32 s5, $0x0;
	s5 =	sld [smem:$0x3FA8]  }
0x2b: {  	s6 =	sld [smem:$0x3FA9]  }
0x2c: {  	s7 =	sld [smem:$0x3FAA]  }
0x2d: {  	s3 =	simm.s32 $0x108;
	s8 =	sld [smem:$0x3FAB]  }
0x2e: {  	s3 =	simm.s32 @!p0 $0x1082;
	s9 =	sld [smem:$0x3FAC]  }
0x2f: {  	lr =	sadd.s32 s0, s3;
	s0 =	sld [smem:$0x3FA3]  }
0x30: {  	s3 =	sld [smem:$0x3FA6]  }
0x31: {  	[smem:$0x3FAF] =	sst s10  }
0x32: {  	s10 =	sld [smem:$0x3FAD];
	_ =	sdelay $0x3  }
0x33: {  	p0 =	seq.s32 s10, $0x1;
	s10 =	sld [smem:$0x3FAF];
	_ =	sdelay $0x3  }
0x34: {  	[smem:$0x3FAF] =	sst s10  }
0x35: {  	s10 =	sld [smem:$0x3FAE];
	_ =	sdelay $0x3  }
0x36: {  	p1 =	seq.s32 s10, $0x1;
	s10 =	sld [smem:$0x3FAF];
	_ =	sdelay $0x3  }
0x37: {  	[smem:$0x3FAF] =	sst s10  }
0x38: {  	s10 =	sld [smem:$0x3FB0]  }
0x39: {  	_ = 	snop;
	(pc) =	sbr.ind lr, $3  }
0x3a: {  	_ = 	snop  }
0x3b: {  	_ = 	snop  }
0x3c: {  	p2 =	seq.s32 s10, $0x1;
	s10 =	sld [smem:$0x3FAF]  }
0x3d: {  	_ =	shalt  }
0x3e: {  	_ =	shalt  }
0x3f: {  	_ =	shalt  }
0x40: {  	_ =	shalt  }
0x41: {  	_ =	shalt  }
0x42: {  	_ =	shalt  }
0x43: {  	_ =	shalt  }
0x44: {  	_ =	shalt  }
0x45: {  	_ =	shalt  }
0x46: {  	_ =	shalt  }
0x47: {  	_ =	shalt  }
0x48: {  	_ =	shalt  }
0x49: {  	_ =	shalt  }
0x4a: {  	_ =	shalt  }
0x4b: {  	_ =	shalt  }
0x4c: {  	_ =	shalt  }
0x4d: {  	_ =	shalt  }
0x4e: {  	_ =	shalt  }
0x4f: {  	_ =	shalt  }
0x50: {  	_ =	shalt  }
0x51: {  	_ =	shalt  }
0x52: {  	_ =	shalt  }
0x53: {  	_ =	shalt  }
0x54: {  	_ =	shalt  }
0x55: {  	_ =	shalt  }
0x56: {  	_ =	shalt  }
0x57: {  	_ =	shalt  }
0x58: {  	_ =	shalt  }
0x59: {  	_ =	shalt  }
0x5a: {  	_ =	shalt  }
0x5b: {  	_ =	shalt  }
0x5c: {  	_ =	shalt  }
0x5d: {  	_ =	shalt  }
0x5e: {  	_ =	shalt  }
0x5f: {  	_ =	shalt  }
0x60: {  	_ =	shalt  }
0x61: {  	_ =	shalt  }
0x62: {  	_ =	shalt  }
0x63: {  	_ =	shalt  }
0x64: {  	_ =	shalt  }
0x65: {  	_ =	shalt  }
0x66: {  	_ =	shalt  }
0x67: {  	_ =	shalt  }
0x68: {  	_ =	shalt  }
0x69: {  	_ =	shalt  }
0x6a: {  	_ =	shalt  }
0x6b: {  	_ =	shalt  }
0x6c: {  	_ =	shalt  }
0x6d: {  	_ =	shalt  }
0x6e: {  	_ =	shalt  }
0x6f: {  	_ =	shalt  }
0x70: {  	_ =	shalt  }
0x71: {  	_ =	shalt  }
0x72: {  	_ =	shalt  }
0x73: {  	_ =	shalt  }
0x74: {  	_ =	shalt  }
0x75: {  	_ =	shalt  }
0x76: {  	_ =	shalt  }
0x77: {  	_ =	shalt  }
0x78: {  	_ =	shalt  }
0x79: {  	_ =	shalt  }
0x7a: {  	_ =	shalt  }
0x7b: {  	_ =	shalt  }
0x7c: {  	_ =	shalt  }
0x7d: {  	_ =	shalt  }
0x7e: {  	_ =	shalt  }
0x7f: {  	_ =	shalt  }
0x80: {  	_ =	shalt  }
0x81: {  	_ =	shalt  }
0x82: {  	_ =	shalt  }
0x83: {  	_ =	shalt  }
0x84: {  	_ =	shalt  }
0x85: {  	_ =	shalt  }
0x86: {  	_ =	shalt  }
0x87: {  	_ =	shalt  }
.Lfunc_end0:
.L_simem_size_0:
called_computation.1_lowered:
.L_overlay_start_0:
0x88: {  	s2 =	sld [smem:$0x3FD9]  }
0x89: {  	s3 =	sld [smem:$0x3FFE];
	_ =	sdelay $0x1  }
0x8a: {  	s1 =	srdreg.scid  }
0x8b: {  	s0 =	sand.u32 $0x1, s1  }
0x8c: {  	s16 =	sshll.u32 s0, $0xA;
	s2 =	sadd.s32 s3, s2  }
0x8d: {  	s2 =	sadd.s32 s2, s16  }
0x8e: {  	[smem:$0x3FBB] =	sst s2  }
0x8f: {  	_ = 	snop  }
0x90: {  	(tm) =	ssettm $0x1  }
0x91: {  	s17 =	sld [smem:$0x3FFB];
	_ =	sdelay $0x3  }
0x92: {  	_ =	strace s17  }
0x93: {  	s2 =	sld [smem:$0x3FFC];
	_ =	sdelay $0x3  }
0x94: {  	_ =	strace s2  }
0x95: {  	s2 =	sld [smem:$0x3FFD];
	_ =	sdelay $0x3  }
0x96: {  	_ =	strace s2  }
0x97: {  	_ =	strace $0x8FFFFFFF  }
0x98: {  	s18 =	sld [smem:$0x3FDB];
	_ =	sdelay $0x1  }
0x99: {  	s19 =	simm.s32 $_scs_section_size  }
0x9a: {  	s4 =	simm.s32 $_size__tile_overlayer_lowered;
	s5 =	simm.s32 $_tile_overlayer_lowered  }
0x9b: {  	s22 =	simm.s32 $0x1BFF;
	s21 =	sshll.u32 s5, $0x1;
	s2 =	sadd.s32 s19, s18  }
0x9c: {  	s6 =	simm.s32 $0x0;
	s20 =	sshll.u32 s4, $0x1;
	s4 =	sadd.s32 s21, s2  }
0x9d: {  	[timem:s6], [sflag:s22] =	dma.local [hbm:s4], s20  }
0x9e: {  	_ =	swait.ge [sflag:s22], s20  }
0x9f: {  	s3 =	ssub.s32 $0x0, s20;
	[sflag:s22] =	ssyncset.done $0x0  }
0xa0: {  	[sflag:s22] =	ssyncadd.s32 s3;
	_ =	sdelay $0x1  }
0xa1: {  	s23 =	simm.s32 $0x1B8B  }
0xa2: {  	_ =	swait.ge [sflag:s23], $0x1  }
0xa3: {  	[sflag:s23] =	ssyncset.done $0x0  }
0xa4: {  	s25 =	simm.s32 $0x1B8E;
	s24 =	sld [smem:$0x3FFE];
	[sflag:s23] =	ssyncadd.s32 $0xFFFFFFFF  }
0xa5: {  	s26 =	simm.s32 $execute0_lowered;
	[smem:$0x3FD2] =	sst s25  }
0xa6: {  	s4 =	sshll.u32 s26, $0x1;
	_ =	strace $0x80000049;
	[dreg:$0x1] =	wrdreg $0xFFFFFFFF  }
0xa7: {  	s28 =	simm.s32 $_size_execute0_lowered;
	s2 =	sadd.s32 s2, s4;
	[dreg:$0x0] =	wrdreg $0x0  }
0xa8: {  	s4 =	sshll.u32 s28, $0x1;
	[dreg:$0x2] =	wrdreg s2  }
0xa9: {  	[dreg:$0x3] =	wrdreg s4  }
0xaa: {  	[dreg:$0x4] =	wrdreg $0xC0  }
0xab: {  	_ =	task [dreg:s6], $0x5FFFF  }
0xac: {  	[dreg:$0x1] =	wrdreg $0xFFFFFFFF  }
0xad: {  	[dreg:$0x0] =	wrdreg $0x60  }
0xae: {  	[dreg:$0x2] =	wrdreg s24  }
0xaf: {  	[dreg:$0x3] =	wrdreg $0x0  }
0xb0: {  	[dreg:$0x4] =	wrdreg $0x9  }
0xb1: {  	_ =	task.clear_ibuf [dreg:s6], $0x5FFFF;
	_ =	strace $0x90000049  }
0xb2: {  	s29 =	simm.s32 $0x9;
	_ =	strace $0x8000004B  }
0xb3: {  	_ =	swait.ge [sflag:s29], $0x1  }
0xb4: {  	[sflag:s29] =	ssyncadd.s32 $0xFFFFFFFF  }
0xb5: {  	_ =	strace $0x9000004B  }
0xb6: {  	_ =	sfence  }
0xb7: {  	s30 =	sld [smem:$0x0];
	_ =	sdelay $0x2  }
0xb8: {  	s31 =	sshll.u32 s1, $0xD;
	s1 =	sshrl.u32 s1, $0x2  }
0xb9: {  	s3 =	sand.u32 $0x4000, s31;
	s1 =	sadd.s32 s1, s30  }
0xba: {  	s0 =	sor.u32 s3, s0;
	s1 =	sshll.u32 s1, $0x11  }
0xbb: {  	s0 =	sor.u32 s1, s0  }
0xbc: {  	s0 =	sadd.s32 $0x8F2B, s0  }
0xbd: {  	[sflag:s0] =	ssyncadd.remote.s32 $0x1  }
0xbe: {  	_ =	sfence.sel $0xFFFF  }
0xbf: {  	[dreg:$0x0] =	wrdreg $0xFFFFFFFF;
	(pc) =	sbr.abs _section_cstart, $3  }
0xc0: {  	[dreg:$0x1] =	wrdreg $0xFFFFFFFF  }
0xc1: {  	_ =	task.clear_ibuf [dreg:s6], $0x2FFFF;
	_ =	strace $0x9FFFFFFF  }
0xc2: {  	(tm) =	ssettm $0x7FFFFFFF  }
0xc3: {  	_ =	shalt  }
tec
execute0_lowered:
.L_overlay_start_1:
0x0: {  	(tag) =	ssettag $0x1  }
0x1: {  	s4 =	rddreg [dreg:$0x0]  }
0x2: {  	s2 =	rddreg [dreg:$0x1]  }
0x3: {  	s0 =	rddreg [dreg:$0x2];
	s3 =	simm.s32 $0x0;
	s1 =	stileid.u32  }
0x4: {  	s6 =	srdreg.scid;
	s18 =	simm.s32 $0x8DB8;
	s5 =	smul.u32 $0x7530, s1  }
0x5: {  	s19 =	simm.s32 $0x8;
	s20 =	simm.s32 $0x0;
	s24 =	smul.u32 $0xEA6, s1  }
0x6: {  	[smem:$0x7FF] =	sst s3;
	s8 =	sand.u32 $0x1, s6;
	s28 =	smul.u32 $0x2710, s1  }
0x7: {  	s7 =	sshll.u32 s1, $0x1;
	s10 =	sadd.s32 $0x34BE00, s4;
	s17 =	smul.u32 $0xEA60, s1  }
0x8: {  	s12 =	sadd.s32 $0x8A00, s4;
	s29 =	sshll.u32 s1, $0x6;
	s9 =	smul.u32 $0xEA60, s8  }
0x9: {  	_ =	strace $0x8000004A;
	s7 =	sor.u32 s8, s7;
	s16 =	smul.u32 $0x1388, s8  }
0xa: {  	s13 =	ssub.s32 $0x2, s8;
	s31 =	smul.u32 $0x7530, s8;
	s11 =	sshrl.u32 s5, $0x3  }
0xb: {  	s7 =	smul.u32 $0x1388, s7;
	s25 =	sshrl.u32 s13, $0x1;
	s15 =	sadd.s32 s5, s2  }
0xc: {  	s5 =	sor.u32 $0x1C01, s29;
	s11 =	sadd.s32 s11, s4;
	s6 =	sadd.s32 s24, s9  }
0xd: {  	s9 =	ssub.s32 s13, s25;
	s13 =	simm.s32 $0x1;
	s7 =	sadd.s32 $0x1380, s7  }
0xe: {  	s14 =	sadd.s32 s6, s4;
	s4 =	sadd.s32 $0x34C00, s11;
	s11 =	sadd.s32 s16, s28  }
0xf: {  	s9 =	smax.u32 s9, $0x1;
	s16 =	simm.s32 $0x80;
	s26 =	smul.u32 $0x6, s7  }
0x10: {  	s30 =	sshrl.u32 s7, $0x3;
	s8 =	sadd.s32 $0x43800, s14;
	s11 =	sshrl.u32 s11, $0x3  }
0x11: {  	s14 =	simm.s32 $0x7530;
	s6 =	sadd.s32 s12, s30;
	s11 =	sadd.s32 s11, s12  }
0x12: {  	s12 =	sshrl.u32 s15, $0x3;
	s7 =	sadd.s32 s10, s26;
	s10 =	sadd.s32 s17, s10  }
0x13: {  	s15 =	simm.s32 $0x75B0;
	s17 =	simm.s32 $0x8DB0;
	s10 =	sadd.s32 s31, s10  }
.LBB2_1:
0x14: {  	[spmem:s12], [sflag:s5] =	dma.local [hbm:s4], $0xEA6  }
0x15: {  	_ =	swait.ge [sflag:s13], $0xEA6  }
0x16: {  	[sflag:s13] =	ssyncset.done $0x0  }
0x17: {  	[sflag:s13] =	ssyncadd.s32 $0xFFFFF15A  }
0x18: {  	s21 =	sadd.s32 $0x0, s11;
	[bflag:$0x0] =	sbarrier.arrive $0xFFFF  }
0x19: {  	[tilespmem:s14], [sflag:$0x1] =	stream.linear.gather [hbm4b:s21+s3], $0x80, $0x38;
	[tilespmem:$0x8F38] =	vst v63  }
0x1a: {  	_ =	swait.ge [sflag:s13], $0x80  }
0x1b: {  	[sflag:s13] =	ssyncset.done $0x0  }
0x1c: {  	[sflag:s13] =	ssyncadd.s32 $0xFFFFFF80  }
0x1d: {  	[tilespmem:s15], [sflag:$0x1] =	stream.linear.gather [hbm4b:s10+s3], $0x1800, $0x38;
	[tilespmem:$0x8F38] =	vst v63  }
0x1e: {  	_ =	swait.ge [sflag:s13], $0x1800  }
0x1f: {  	[sflag:s13] =	ssyncset.done $0x0  }
0x20: {  	[sflag:s13] =	ssyncadd.s32 $0xFFFFE800  }
0x21: {  	[spmem:s2] =	stream.indirect.scatter.add.f32 [tilespmem:s15], [sflag:$0x1], $0x30, s14, s16, $0xb8;
	[tilespmem:$0x8F38] =	vst v63  }
0x22: {  	s22 =	simm.s32 $0x10;
	_ =	swait.ge [sflag:s13], $0x1800  }
0x23: {  	s23 =	simm.s32 $0x20;
	s21 =	sadd.s32 $0x300, s10;
	[sflag:s13] =	ssyncset.done $0x0  }
.LBB2_2:
0x24: {  	s24 =	sadd.s32 s22, s11  }
0x25: {  	[sflag:s13] =	ssyncadd.s32 $0xFFFFE800;
	s22 =	smov.u32 s23;
	s25 =	sadd.s32 $0x10, s23  }
0x26: {  	[tilespmem:s14], [sflag:$0x1] =	stream.linear.gather [hbm4b:s24+s3], $0x80, $0x38;
	[tilespmem:$0x8F38] =	vst v63  }
0x27: {  	p0 =	sne.s32 s23, $0x260;
	_ =	swait.ge [sflag:s13], $0x80  }
0x28: {  	[sflag:s13] =	ssyncset.done $0x0  }
0x29: {  	[sflag:s13] =	ssyncadd.s32 $0xFFFFFF80  }
0x2a: {  	[tilespmem:s15], [sflag:$0x1] =	stream.linear.gather [hbm4b:s21+s3], $0x1800, $0x38;
	[tilespmem:$0x8F38] =	vst v63  }
0x2b: {  	_ =	swait.ge [sflag:s13], $0x1800  }
.Ltmp0:
0x2c: {  	[sflag:s13] =	ssyncset.done $0x0;
	(pc) =	sbr.rel @p0 .LBB2_2-.Ltmp0, $4  }
0x2d: {  	[sflag:s13] =	ssyncadd.s32 $0xFFFFE800  }
0x2e: {  	[spmem:s2] =	stream.indirect.scatter.add.f32 [tilespmem:s15], [sflag:$0x1], $0x30, s14, s16, $0xb8;
	[tilespmem:$0x8F38] =	vst v63  }
0x2f: {  	_ =	swait.ge [sflag:s13], $0x1800  }
0x30: {  	s23 =	smov.u32 s25;
	s21 =	sadd.s32 $0x300, s21;
	[sflag:s13] =	ssyncset.done $0x0  }
0x31: {  	s22 =	sadd.s32 s22, s11;
	[sflag:s13] =	ssyncadd.s32 $0xFFFFE800  }
0x32: {  	[tilespmem:s14], [sflag:$0x1] =	stream.linear.gather [hbm4b:s22+s3], $0x80, $0x38;
	[tilespmem:$0x8F38] =	vst v63  }
0x33: {  	_ =	swait.ge [sflag:s13], $0x80  }
0x34: {  	[sflag:s13] =	ssyncset.done $0x0  }
0x35: {  	[sflag:s13] =	ssyncadd.s32 $0xFFFFFF80  }
0x36: {  	[tilespmem:s15], [sflag:$0x1] =	stream.linear.gather [hbm4b:s21+s3], $0x1800, $0x38;
	[tilespmem:$0x8F38] =	vst v63  }
0x37: {  	_ =	swait.ge [sflag:s13], $0x1800  }
0x38: {  	[sflag:s13] =	ssyncset.done $0x0  }
0x39: {  	[sflag:s13] =	ssyncadd.s32 $0xFFFFE800  }
0x3a: {  	[spmem:s2] =	stream.indirect.scatter.add.f32 [tilespmem:s15], [sflag:$0x1], $0x30, s14, s16, $0xb8;
	[tilespmem:$0x8F38] =	vst v63  }
0x3b: {  	_ =	swait.ge [sflag:s13], $0x1800  }
0x3c: {  	[sflag:s13] =	ssyncset.done $0x0  }
0x3d: {  	[sflag:s13] =	ssyncadd.s32 $0xFFFFE800  }
0x3e: {  	[tilespmem:s17], [sflag:$0x1] =	stream.linear.gather [hbm4b:s6+s3], $0x8, $0x38;
	[tilespmem:$0x8F38] =	vst v63  }
0x3f: {  	_ =	swait.ge [sflag:s13], $0x8  }
0x40: {  	[sflag:s13] =	ssyncset.done $0x0  }
0x41: {  	[sflag:s13] =	ssyncadd.s32 $0xFFFFFFF8  }
0x42: {  	[tilespmem:s18], [sflag:$0x1] =	stream.linear.gather [hbm4b:s7+s3], $0x180, $0x38;
	[tilespmem:$0x8F38] =	vst v63  }
0x43: {  	_ =	swait.ge [sflag:s13], $0x180  }
0x44: {  	[sflag:s13] =	ssyncset.done $0x0  }
0x45: {  	[sflag:s13] =	ssyncadd.s32 $0xFFFFFE80  }
0x46: {  	[spmem:s2] =	stream.indirect.scatter.add.f32 [tilespmem:s18], [sflag:$0x1], $0x30, s17, s19, $0xb8;
	[tilespmem:$0x8F38] =	vst v63  }
0x47: {  	_ =	swait.ge [sflag:s13], $0x180  }
0x48: {  	s20 =	sadd.s32 $0x1, s20;
	[sflag:s13] =	ssyncset.done $0x0  }
0x49: {  	p0 =	sne.s32 s20, s9;
	[sflag:s13] =	ssyncadd.s32 $0xFFFFFE80  }
.Ltmp1:
0x4a: {  	[bflag:$0x0] =	sbarrier.arrive $0xFFFF;
	(pc) =	sbr.rel @p0 .LBB2_1-.Ltmp1, $4  }
0x4b: {  	[hbm:s8], [sflag:s5] =	dma.local [spmem:s12], $0xEA6  }
0x4c: {  	_ =	swait.ge [sflag:s13], $0xEA6  }
0x4d: {  	[sflag:s13] =	ssyncset.done $0x0  }
0x4e: {  	[sflag:s13] =	ssyncadd.s32 $0xFFFFF15A  }
0x4f: {  	_ =	sfence.sel $0x180000  }
0x50: {  	[bflag:$0x0] =	sbarrier.arrive $0xFFFF  }
0x51: {  	p0 =	sne.s32 s1, $0x0;
	_ =	strace $0x9000004A  }
0x52: {  	s0 =	sadd.s32 @!p0 $0x100000, s0;
	[bflag:$0x2] =	sbarrier.arrive $0xFFFF  }
0x53: {  	[sflag:s0] =	ssyncadd.tile.s32 @!p0 $0x1;
	_ =	shalt  }
.Lfunc_end2:
_tile_overlayer_lowered:
.L_overlay_start_2:
0x54: {  	(tag) =	ssettag $0x2  }
0x55: {  	s0 =	rddreg [dreg:$0x0];
	s2 =	stileid.u32  }
0x56: {  	s1 =	rddreg [dreg:$0x1];
	p0 =	sne.s32 s2, $0x0  }
0x57: {  	s3 =	rddreg [dreg:$0x2];
	[bflag:$0x3] =	sbarrier.arrive $0xFFFF;
	s2 =	simm.s32 @!p0 $0x1C01  }
0x58: {  	[timem:s3], [sflag:s2] =	dma.local @!p0 [hbm:s0], s1  }
0x59: {  	s0 =	simm.s32 @!p0 $0x1  }
0x5a: {  	_ =	swait.ge @!p0 [sflag:s0], s1  }
0x5b: {  	s1 =	ssub.s32 @!p0 $0x0, s1;
	[sflag:s0] =	ssyncset.done @!p0 $0x0  }
0x5c: {  	[sflag:s0] =	ssyncadd.s32 @!p0 s1  }
0x5d: {  	[bflag:$0x3] =	sbarrier.arrive $0xFFFF  }
0x5e: {  	_ =	shalt  }

// kernel: kernel.16.cloned.1.call-start
scs
__scs_entry_jumppad:
0x0: {  	(pc) =	sbr.rel $0x88, $3  }
0x1: {  	(tag) =	ssettag $0x0;
	lr =	simm.s32 $0x1  }
0x2: {  	[smem:$0x3F94] =	sst lr;
	_ =	strace $0xD0000000  }
0x3: {  	_ = 	snop  }
0x4: {  	_ = 	snop  }
0x5: {  	_ = 	snop  }
0x6: {  	_ = 	snop  }
0x7: {  	_ = 	snop  }
__scs_overlays_trampoline_lowered:
0x8: {  	[smem:$0x3FA3] =	sst s0  }
0x9: {  	[smem:$0x3FA4] =	sst s1  }
0xa: {  	[smem:$0x3FA5] =	sst s2  }
0xb: {  	[smem:$0x3FA6] =	sst s3  }
0xc: {  	[smem:$0x3FA7] =	sst s4  }
0xd: {  	[smem:$0x3FA8] =	sst s5  }
0xe: {  	[smem:$0x3FA9] =	sst s6  }
0xf: {  	[smem:$0x3FAA] =	sst s7  }
0x10: {  	[smem:$0x3FAB] =	sst s8  }
0x11: {  	[smem:$0x3FAC] =	sst s9;
	s0 =	simm.s32 @!p0 $0x0  }
0x12: {  	s1 =	sld [smem:$0x3F92];
	s0 =	simm.s32 @p0 $0x1  }
0x13: {  	[smem:$0x3FAD] =	sst s0;
	s0 =	simm.s32 @!p1 $0x0  }
0x14: {  	s2 =	sld [smem:$0x3F91];
	s0 =	simm.s32 @p1 $0x1  }
0x15: {  	[smem:$0x3FAE] =	sst s0;
	s0 =	simm.s32 @!p2 $0x0  }
0x16: {  	s3 =	sld [smem:$0x3FDB];
	s0 =	simm.s32 @p2 $0x1  }
0x17: {  	s4 =	simm.s32 $0x1BF5;
	[smem:$0x3FB0] =	sst s0  }
0x18: {  	s0 =	sld [smem:$0x3F93];
	_ =	swait.ge [sflag:s4], $0x0  }
0x19: {  	s7 =	sld [smem:$0x3F94]  }
0x1a: {  	s8 =	sadd.s32 $0xFFFFE003, lr  }
0x1b: {  	s9 =	sadd.s32 $0xFFFFFEF7, lr;
	s5 =	simm.s32 $0xFFFFFFFF;
	p2 =	slt.u32 s8, $0xFFFFF086  }
0x1c: {  	p1 =	slt.u32 s9, $0xF7A;
	s5 =	simm.s32 @!p2 $0x0  }
0x1d: {  	s5 =	simm.s32 @p1 $0x1;
	p0 =	seq.s32 s7, s2  }
0x1e: {  	s7 =	smul.u32 @!p0 $0xF7A, s2;
	p2 =	seq.s32 @!p0 s5, $0x0  }
0x1f: {  	s9 =	smul.u32 $0xF7A, s1;
	s8 =	simm.s32 @!p0 $0x1BF5;
	p2 =	por !p2, p0  }
0x20: {  	[sflag:s8] =	ssyncset.s32 @!p0 $0xFFFFF086;
	s6 =	sadd.s32 @!p0 s3, s7;
	s7 =	simm.s32 @!p0 $0x108  }
0x21: {  	s3 =	sadd.s32 s3, s9;
	s6 =	sadd.s32 @!p0 $0x88, s6;
	s7 =	simm.s32 @p2 $0x1082  }
0x22: {  	[simem:s7], [sflag:s8] =	dma.local @!p0 [hbm:s6], $0xF7A  }
0x23: {  	s9 =	sor.u32 $0xD0000000, s2;
	s6 =	simm.s32 $0x108;
	_ =	swait.ge @!p0 [sflag:s8], $0x0  }
0x24: {  	s3 =	sadd.s32 $0x88, s3;
	s6 =	simm.s32 @!p1 $0x1082;
	[sflag:s4] =	ssyncset.s32 $0xFFFFF086  }
0x25: {  	[simem:s6], [sflag:s4] =	dma.local [hbm:s3], $0xF7A  }
0x26: {  	[smem:$0x3F94] =	sst s1;
	(tag) =	ssettag s2;
	_ =	strace s9  }
0x27: {  	s1 =	sld [smem:$0x3FA4]  }
0x28: {  	s2 =	sld [smem:$0x3FA5]  }
0x29: {  	s4 =	sld [smem:$0x3FA7]  }
0x2a: {  	p0 =	seq.s32 s5, $0x0;
	s5 =	sld [smem:$0x3FA8]  }
0x2b: {  	s6 =	sld [smem:$0x3FA9]  }
0x2c: {  	s7 =	sld [smem:$0x3FAA]  }
0x2d: {  	s3 =	simm.s32 $0x108;
	s8 =	sld [smem:$0x3FAB]  }
0x2e: {  	s3 =	simm.s32 @!p0 $0x1082;
	s9 =	sld [smem:$0x3FAC]  }
0x2f: {  	lr =	sadd.s32 s0, s3;
	s0 =	sld [smem:$0x3FA3]  }
0x30: {  	s3 =	sld [smem:$0x3FA6]  }
0x31: {  	[smem:$0x3FAF] =	sst s10  }
0x32: {  	s10 =	sld [smem:$0x3FAD];
	_ =	sdelay $0x3  }
0x33: {  	p0 =	seq.s32 s10, $0x1;
	s10 =	sld [smem:$0x3FAF];
	_ =	sdelay $0x3  }
0x34: {  	[smem:$0x3FAF] =	sst s10  }
0x35: {  	s10 =	sld [smem:$0x3FAE];
	_ =	sdelay $0x3  }
0x36: {  	p1 =	seq.s32 s10, $0x1;
	s10 =	sld [smem:$0x3FAF];
	_ =	sdelay $0x3  }
0x37: {  	[smem:$0x3FAF] =	sst s10  }
0x38: {  	s10 =	sld [smem:$0x3FB0]  }
0x39: {  	_ = 	snop;
	(pc) =	sbr.ind lr, $3  }
0x3a: {  	_ = 	snop  }
0x3b: {  	_ = 	snop  }
0x3c: {  	p2 =	seq.s32 s10, $0x1;
	s10 =	sld [smem:$0x3FAF]  }
0x3d: {  	_ =	shalt  }
0x3e: {  	_ =	shalt  }
0x3f: {  	_ =	shalt  }
0x40: {  	_ =	shalt  }
0x41: {  	_ =	shalt  }
0x42: {  	_ =	shalt  }
0x43: {  	_ =	shalt  }
0x44: {  	_ =	shalt  }
0x45: {  	_ =	shalt  }
0x46: {  	_ =	shalt  }
0x47: {  	_ =	shalt  }
0x48: {  	_ =	shalt  }
0x49: {  	_ =	shalt  }
0x4a: {  	_ =	shalt  }
0x4b: {  	_ =	shalt  }
0x4c: {  	_ =	shalt  }
0x4d: {  	_ =	shalt  }
0x4e: {  	_ =	shalt  }
0x4f: {  	_ =	shalt  }
0x50: {  	_ =	shalt  }
0x51: {  	_ =	shalt  }
0x52: {  	_ =	shalt  }
0x53: {  	_ =	shalt  }
0x54: {  	_ =	shalt  }
0x55: {  	_ =	shalt  }
0x56: {  	_ =	shalt  }
0x57: {  	_ =	shalt  }
0x58: {  	_ =	shalt  }
0x59: {  	_ =	shalt  }
0x5a: {  	_ =	shalt  }
0x5b: {  	_ =	shalt  }
0x5c: {  	_ =	shalt  }
0x5d: {  	_ =	shalt  }
0x5e: {  	_ =	shalt  }
0x5f: {  	_ =	shalt  }
0x60: {  	_ =	shalt  }
0x61: {  	_ =	shalt  }
0x62: {  	_ =	shalt  }
0x63: {  	_ =	shalt  }
0x64: {  	_ =	shalt  }
0x65: {  	_ =	shalt  }
0x66: {  	_ =	shalt  }
0x67: {  	_ =	shalt  }
0x68: {  	_ =	shalt  }
0x69: {  	_ =	shalt  }
0x6a: {  	_ =	shalt  }
0x6b: {  	_ =	shalt  }
0x6c: {  	_ =	shalt  }
0x6d: {  	_ =	shalt  }
0x6e: {  	_ =	shalt  }
0x6f: {  	_ =	shalt  }
0x70: {  	_ =	shalt  }
0x71: {  	_ =	shalt  }
0x72: {  	_ =	shalt  }
0x73: {  	_ =	shalt  }
0x74: {  	_ =	shalt  }
0x75: {  	_ =	shalt  }
0x76: {  	_ =	shalt  }
0x77: {  	_ =	shalt  }
0x78: {  	_ =	shalt  }
0x79: {  	_ =	shalt  }
0x7a: {  	_ =	shalt  }
0x7b: {  	_ =	shalt  }
0x7c: {  	_ =	shalt  }
0x7d: {  	_ =	shalt  }
0x7e: {  	_ =	shalt  }
0x7f: {  	_ =	shalt  }
0x80: {  	_ =	shalt  }
0x81: {  	_ =	shalt  }
0x82: {  	_ =	shalt  }
0x83: {  	_ =	shalt  }
0x84: {  	_ =	shalt  }
0x85: {  	_ =	shalt  }
0x86: {  	_ =	shalt  }
0x87: {  	_ =	shalt  }
.Lfunc_end0:
.L_simem_size_0:
called_computation.2_lowered:
.L_overlay_start_0:
0x88: {  	s2 =	sld [smem:$0x3FD9]  }
0x89: {  	s3 =	sld [smem:$0x3FFE];
	_ =	sdelay $0x1  }
0x8a: {  	s1 =	srdreg.scid  }
0x8b: {  	s0 =	sand.u32 $0x1, s1  }
0x8c: {  	s16 =	sshll.u32 s0, $0xA;
	s2 =	sadd.s32 s3, s2  }
0x8d: {  	s2 =	sadd.s32 s2, s16  }
0x8e: {  	[smem:$0x3FBB] =	sst s2  }
0x8f: {  	_ = 	snop  }
0x90: {  	(tm) =	ssettm $0x1  }
0x91: {  	s17 =	sld [smem:$0x3FFB];
	_ =	sdelay $0x3  }
0x92: {  	_ =	strace s17  }
0x93: {  	s2 =	sld [smem:$0x3FFC];
	_ =	sdelay $0x3  }
0x94: {  	_ =	strace s2  }
0x95: {  	s2 =	sld [smem:$0x3FFD];
	_ =	sdelay $0x3  }
0x96: {  	_ =	strace s2  }
0x97: {  	_ =	strace $0x8FFFFFFF  }
0x98: {  	s18 =	sld [smem:$0x3FDB];
	_ =	sdelay $0x1  }
0x99: {  	s19 =	simm.s32 $_scs_section_size  }
0x9a: {  	s4 =	simm.s32 $_size__tile_overlayer_lowered;
	s5 =	simm.s32 $_tile_overlayer_lowered  }
0x9b: {  	s22 =	simm.s32 $0x1BFF;
	s21 =	sshll.u32 s5, $0x1;
	s2 =	sadd.s32 s19, s18  }
0x9c: {  	s6 =	simm.s32 $0x0;
	s20 =	sshll.u32 s4, $0x1;
	s4 =	sadd.s32 s21, s2  }
0x9d: {  	[timem:s6], [sflag:s22] =	dma.local [hbm:s4], s20  }
0x9e: {  	_ =	swait.ge [sflag:s22], s20  }
0x9f: {  	s3 =	ssub.s32 $0x0, s20;
	[sflag:s22] =	ssyncset.done $0x0  }
0xa0: {  	[sflag:s22] =	ssyncadd.s32 s3;
	_ =	sdelay $0x1  }
0xa1: {  	s23 =	simm.s32 $0x1B8B  }
0xa2: {  	_ =	swait.ge [sflag:s23], $0x1  }
0xa3: {  	[sflag:s23] =	ssyncset.done $0x0  }
0xa4: {  	s25 =	simm.s32 $0x1B8E;
	s24 =	sld [smem:$0x3FFE];
	[sflag:s23] =	ssyncadd.s32 $0xFFFFFFFF  }
0xa5: {  	s26 =	simm.s32 $execute0_lowered;
	[smem:$0x3FD2] =	sst s25  }
0xa6: {  	s4 =	sshll.u32 s26, $0x1;
	_ =	strace $0x8000004C;
	[dreg:$0x1] =	wrdreg $0xFFFFFFFF  }
0xa7: {  	s28 =	simm.s32 $_size_execute0_lowered;
	s2 =	sadd.s32 s2, s4;
	[dreg:$0x0] =	wrdreg $0x0  }
0xa8: {  	s4 =	sshll.u32 s28, $0x1;
	[dreg:$0x2] =	wrdreg s2  }
0xa9: {  	[dreg:$0x3] =	wrdreg s4  }
0xaa: {  	[dreg:$0x4] =	wrdreg $0xC0  }
0xab: {  	_ =	task [dreg:s6], $0x5FFFF  }
0xac: {  	[dreg:$0x1] =	wrdreg $0xFFFFFFFF  }
0xad: {  	[dreg:$0x0] =	wrdreg $0x60  }
0xae: {  	[dreg:$0x2] =	wrdreg s24  }
0xaf: {  	[dreg:$0x3] =	wrdreg $0x9  }
0xb0: {  	_ =	task.clear_ibuf [dreg:s6], $0x4FFFF;
	_ =	strace $0x9000004C  }
0xb1: {  	s29 =	simm.s32 $0x9;
	_ =	strace $0x8000004E  }
0xb2: {  	_ =	swait.ge [sflag:s29], $0x1  }
0xb3: {  	[sflag:s29] =	ssyncadd.s32 $0xFFFFFFFF  }
0xb4: {  	_ =	strace $0x9000004E  }
0xb5: {  	_ =	sfence  }
0xb6: {  	s30 =	sld [smem:$0x0];
	_ =	sdelay $0x2  }
0xb7: {  	s31 =	sshll.u32 s1, $0xD;
	s1 =	sshrl.u32 s1, $0x2  }
0xb8: {  	s3 =	sand.u32 $0x4000, s31;
	s1 =	sadd.s32 s1, s30  }
0xb9: {  	s0 =	sor.u32 s3, s0;
	s1 =	sshll.u32 s1, $0x11  }
0xba: {  	s0 =	sor.u32 s1, s0  }
0xbb: {  	s0 =	sadd.s32 $0x8F2B, s0  }
0xbc: {  	[sflag:s0] =	ssyncadd.remote.s32 $0x1  }
0xbd: {  	_ =	sfence.sel $0xFFFF  }
0xbe: {  	[dreg:$0x0] =	wrdreg $0xFFFFFFFF;
	(pc) =	sbr.abs _section_cstart, $3  }
0xbf: {  	[dreg:$0x1] =	wrdreg $0xFFFFFFFF  }
0xc0: {  	_ =	task.clear_ibuf [dreg:s6], $0x2FFFF;
	_ =	strace $0x9FFFFFFF  }
0xc1: {  	(tm) =	ssettm $0x7FFFFFFF  }
tec
execute0_lowered:
.L_overlay_start_1:
0x0: {  	(tag) =	ssettag $0x1  }
0x1: {  	s4 =	rddreg [dreg:$0x0]  }
0x2: {  	s0 =	rddreg [dreg:$0x1];
	s2 =	simm.s32 $0x0;
	s3 =	srdreg.scid  }
0x3: {  	s1 =	stileid.u32;
	s12 =	simm.s32 $0x1;
	s13 =	simm.s32 $0x2388  }
0x4: {  	s14 =	simm.s32 $0x8;
	s15 =	simm.s32 $0x2390;
	s16 =	simm.s32 $0x0  }
0x5: {  	[smem:$0x7FF] =	sst s2;
	s6 =	sand.u32 $0x1, s3;
	s25 =	sshll.u32 s1, $0x1  }
0x6: {  	s3 =	sadd.s32 $0x5BE00, s4;
	s8 =	sadd.s32 $0x3A00, s4;
	s11 =	smul.u32 $0x9C40, s1  }
0x7: {  	s9 =	sadd.s32 $0x34BE00, s4;
	s5 =	sor.u32 s6, s25;
	s30 =	smul.u32 $0x4E20, s6  }
0x8: {  	_ =	strace $0x8000004D;
	s7 =	ssub.s32 $0x2, s6;
	s5 =	smul.u32 $0x1388, s5  }
0x9: {  	s26 =	sshrl.u32 s7, $0x1;
	s31 =	sadd.s32 s11, s9;
	s11 =	simm.s32 $0x1388  }
0xa: {  	s7 =	ssub.s32 s7, s26;
	s28 =	sshrl.u32 s5, $0x3;
	s10 =	sadd.s32 $0x1380, s5  }
0xb: {  	s7 =	smax.u32 s7, $0x1;
	s4 =	sadd.s32 s8, s28;
	s5 =	sshrl.u32 s10, $0x3  }
0xc: {  	s29 =	sshll.u32 s10, $0x2;
	s10 =	simm.s32 $0x80;
	s5 =	sadd.s32 s8, s5  }
0xd: {  	s6 =	sadd.s32 s9, s29;
	s8 =	sadd.s32 s30, s31;
	s9 =	simm.s32 $0x2  }
.LBB2_1:
0xe: {  	[tilespmem:s2], [sflag:$0x2] =	stream.linear.gather [hbm4b:s4+s2], $0x1388, $0x38;
	[tilespmem:$0x2490] =	vst v63  }
0xf: {  	_ =	swait.ge [sflag:s9], $0x1388  }
0x10: {  	[sflag:s9] =	ssyncset.done $0x0  }
0x11: {  	s17 =	simm.s32 $0x0;
	[sflag:s9] =	ssyncadd.s32 $0xFFFFEC78  }
0x12: {  	[tilespmem:s11], [sflag:$0x1] =	stream.indirect.gather [hbm4b:s3+s10], $0x20, s17, s10, $0xb8;
	[tilespmem:$0x2490] =	vst v63  }
0x13: {  	_ =	swait.ge [sflag:s12], $0x1000  }
0x14: {  	[sflag:s12] =	ssyncset.done $0x0  }
0x15: {  	s31 =	sadd.s32 $0x0, s8;
	[sflag:s12] =	ssyncadd.s32 $0xFFFFF000  }
0x16: {  	[hbm4b:s31+s2] =	stream.linear.scatter [tilespmem:s11], [sflag:$0x2], $0x1000, $0x38;
	[tilespmem:$0x2490] =	vst v63  }
0x17: {  	_ =	swait.ge [sflag:s9], $0x1000  }
0x18: {  	s18 =	simm.s32 $0x400;
	s17 =	simm.s32 $0x200;
	[sflag:s9] =	ssyncset.done $0x0  }
.LBB2_2:
0x19: {  	s19 =	sshra.s32 s17, $0x2  }
0x1a: {  	[sflag:s9] =	ssyncadd.s32 $0xFFFFF000;
	s20 =	smov.u32 s18;
	s21 =	sadd.s32 $0x200, s18  }
0x1b: {  	[tilespmem:s11], [sflag:$0x1] =	stream.indirect.gather [hbm4b:s3+s10], $0x20, s19, s10, $0xb8;
	[tilespmem:$0x2490] =	vst v63  }
0x1c: {  	p0 =	sne.s32 s18, $0x4C00;
	_ =	swait.ge [sflag:s12], $0x1000  }
.Ltmp0:
0x1d: {  	[sflag:s12] =	ssyncset.done $0x0;
	(pc) =	sbr.rel @p0 .LBB2_2-.Ltmp0, $4  }
0x1e: {  	s18 =	sadd.s32 s17, s8;
	s17 =	smov.u32 s20;
	[sflag:s12] =	ssyncadd.s32 $0xFFFFF000  }
0x1f: {  	[hbm4b:s18+s2] =	stream.linear.scatter [tilespmem:s11], [sflag:$0x2], $0x1000, $0x38;
	[tilespmem:$0x2490] =	vst v63  }
0x20: {  	_ =	swait.ge [sflag:s9], $0x1000  }
0x21: {  	s18 =	smov.u32 s21;
	[sflag:s9] =	ssyncset.done $0x0  }
0x22: {  	s18 =	sshra.s32 s17, $0x2;
	[sflag:s9] =	ssyncadd.s32 $0xFFFFF000  }
0x23: {  	[tilespmem:s11], [sflag:$0x1] =	stream.indirect.gather [hbm4b:s3+s10], $0x20, s18, s10, $0xb8;
	[tilespmem:$0x2490] =	vst v63  }
0x24: {  	_ =	swait.ge [sflag:s12], $0x1000  }
0x25: {  	[sflag:s12] =	ssyncset.done $0x0  }
0x26: {  	s31 =	sadd.s32 s17, s8;
	[sflag:s12] =	ssyncadd.s32 $0xFFFFF000  }
0x27: {  	[hbm4b:s31+s2] =	stream.linear.scatter [tilespmem:s11], [sflag:$0x2], $0x1000, $0x38;
	[tilespmem:$0x2490] =	vst v63  }
0x28: {  	_ =	swait.ge [sflag:s9], $0x1000  }
0x29: {  	[sflag:s9] =	ssyncset.done $0x0  }
0x2a: {  	[sflag:s9] =	ssyncadd.s32 $0xFFFFF000  }
0x2b: {  	[tilespmem:s13], [sflag:$0x2] =	stream.linear.gather [hbm4b:s5+s2], $0x8, $0x38;
	[tilespmem:$0x2490] =	vst v63  }
0x2c: {  	_ =	swait.ge [sflag:s9], $0x8  }
0x2d: {  	[sflag:s9] =	ssyncset.done $0x0  }
0x2e: {  	[sflag:s9] =	ssyncadd.s32 $0xFFFFFFF8  }
0x2f: {  	[tilespmem:s15], [sflag:$0x1] =	stream.indirect.gather [hbm4b:s3+s14], $0x20, s13, s14, $0xb8;
	[tilespmem:$0x2490] =	vst v63  }
0x30: {  	s16 =	sadd.s32 $0x1, s16;
	_ =	swait.ge [sflag:s12], $0x100  }
0x31: {  	p0 =	sne.s32 s16, s7;
	[sflag:s12] =	ssyncset.done $0x0  }
.Ltmp1:
0x32: {  	[sflag:s12] =	ssyncadd.s32 $0xFFFFFF00;
	(pc) =	sbr.rel @p0 .LBB2_1-.Ltmp1, $4  }
0x33: {  	[hbm4b:s6+s2] =	stream.linear.scatter [tilespmem:s15], [sflag:$0x2], $0x100, $0x38;
	[tilespmem:$0x2490] =	vst v63  }
0x34: {  	_ =	swait.ge [sflag:s9], $0x100  }
0x35: {  	[sflag:s9] =	ssyncset.done $0x0  }
0x36: {  	[sflag:s9] =	ssyncadd.s32 $0xFFFFFF00  }
0x37: {  	_ =	sfence.sel $0x180000  }
0x38: {  	[bflag:$0x0] =	sbarrier.arrive $0xFFFF  }
0x39: {  	p0 =	sne.s32 s1, $0x0;
	_ =	strace $0x9000004D  }
0x3a: {  	s0 =	sadd.s32 @!p0 $0x100000, s0;
	[bflag:$0x2] =	sbarrier.arrive $0xFFFF  }
0x3b: {  	[sflag:s0] =	ssyncadd.tile.s32 @!p0 $0x1;
	_ =	shalt  }
.Lfunc_end2:
_tile_overlayer_lowered:
.L_overlay_start_2:
0x3c: {  	(tag) =	ssettag $0x2  }
0x3d: {  	s0 =	rddreg [dreg:$0x0];
	s2 =	stileid.u32  }
0x3e: {  	s1 =	rddreg [dreg:$0x1];
	p0 =	sne.s32 s2, $0x0  }
0x3f: {  	s3 =	rddreg [dreg:$0x2];
	[bflag:$0x3] =	sbarrier.arrive $0xFFFF;
	s2 =	simm.s32 @!p0 $0x1C02  }
0x40: {  	[timem:s3], [sflag:s2] =	dma.local @!p0 [hbm:s0], s1  }
0x41: {  	s0 =	simm.s32 @!p0 $0x2  }
0x42: {  	_ =	swait.ge @!p0 [sflag:s0], s1  }
0x43: {  	s1 =	ssub.s32 @!p0 $0x0, s1;
	[sflag:s0] =	ssyncset.done @!p0 $0x0  }
0x44: {  	[sflag:s0] =	ssyncadd.s32 @!p0 s1  }
0x45: {  	[bflag:$0x3] =	sbarrier.arrive $0xFFFF  }
0x46: {  	_ =	shalt  }

// kernel: kernel.19.cloned.1.call-start
scs
__scs_entry_jumppad:
0x0: {  	(pc) =	sbr.rel $0x88, $3  }
0x1: {  	(tag) =	ssettag $0x0;
	lr =	simm.s32 $0x1  }
0x2: {  	[smem:$0x3F94] =	sst lr;
	_ =	strace $0xD0000000  }
0x3: {  	_ = 	snop  }
0x4: {  	_ = 	snop  }
0x5: {  	_ = 	snop  }
0x6: {  	_ = 	snop  }
0x7: {  	_ = 	snop  }
__scs_overlays_trampoline_lowered:
0x8: {  	[smem:$0x3FA3] =	sst s0  }
0x9: {  	[smem:$0x3FA4] =	sst s1  }
0xa: {  	[smem:$0x3FA5] =	sst s2  }
0xb: {  	[smem:$0x3FA6] =	sst s3  }
0xc: {  	[smem:$0x3FA7] =	sst s4  }
0xd: {  	[smem:$0x3FA8] =	sst s5  }
0xe: {  	[smem:$0x3FA9] =	sst s6  }
0xf: {  	[smem:$0x3FAA] =	sst s7  }
0x10: {  	[smem:$0x3FAB] =	sst s8  }
0x11: {  	[smem:$0x3FAC] =	sst s9;
	s0 =	simm.s32 @!p0 $0x0  }
0x12: {  	s1 =	sld [smem:$0x3F92];
	s0 =	simm.s32 @p0 $0x1  }
0x13: {  	[smem:$0x3FAD] =	sst s0;
	s0 =	simm.s32 @!p1 $0x0  }
0x14: {  	s2 =	sld [smem:$0x3F91];
	s0 =	simm.s32 @p1 $0x1  }
0x15: {  	[smem:$0x3FAE] =	sst s0;
	s0 =	simm.s32 @!p2 $0x0  }
0x16: {  	s3 =	sld [smem:$0x3FDB];
	s0 =	simm.s32 @p2 $0x1  }
0x17: {  	s4 =	simm.s32 $0x1BF5;
	[smem:$0x3FB0] =	sst s0  }
0x18: {  	s0 =	sld [smem:$0x3F93];
	_ =	swait.ge [sflag:s4], $0x0  }
0x19: {  	s7 =	sld [smem:$0x3F94]  }
0x1a: {  	s8 =	sadd.s32 $0xFFFFE003, lr  }
0x1b: {  	s9 =	sadd.s32 $0xFFFFFEF7, lr;
	s5 =	simm.s32 $0xFFFFFFFF;
	p2 =	slt.u32 s8, $0xFFFFF086  }
0x1c: {  	p1 =	slt.u32 s9, $0xF7A;
	s5 =	simm.s32 @!p2 $0x0  }
0x1d: {  	s5 =	simm.s32 @p1 $0x1;
	p0 =	seq.s32 s7, s2  }
0x1e: {  	s7 =	smul.u32 @!p0 $0xF7A, s2;
	p2 =	seq.s32 @!p0 s5, $0x0  }
0x1f: {  	s9 =	smul.u32 $0xF7A, s1;
	s8 =	simm.s32 @!p0 $0x1BF5;
	p2 =	por !p2, p0  }
0x20: {  	[sflag:s8] =	ssyncset.s32 @!p0 $0xFFFFF086;
	s6 =	sadd.s32 @!p0 s3, s7;
	s7 =	simm.s32 @!p0 $0x108  }
0x21: {  	s3 =	sadd.s32 s3, s9;
	s6 =	sadd.s32 @!p0 $0x88, s6;
	s7 =	simm.s32 @p2 $0x1082  }
0x22: {  	[simem:s7], [sflag:s8] =	dma.local @!p0 [hbm:s6], $0xF7A  }
0x23: {  	s9 =	sor.u32 $0xD0000000, s2;
	s6 =	simm.s32 $0x108;
	_ =	swait.ge @!p0 [sflag:s8], $0x0  }
0x24: {  	s3 =	sadd.s32 $0x88, s3;
	s6 =	simm.s32 @!p1 $0x1082;
	[sflag:s4] =	ssyncset.s32 $0xFFFFF086  }
0x25: {  	[simem:s6], [sflag:s4] =	dma.local [hbm:s3], $0xF7A  }
0x26: {  	[smem:$0x3F94] =	sst s1;
	(tag) =	ssettag s2;
	_ =	strace s9  }
0x27: {  	s1 =	sld [smem:$0x3FA4]  }
0x28: {  	s2 =	sld [smem:$0x3FA5]  }
0x29: {  	s4 =	sld [smem:$0x3FA7]  }
0x2a: {  	p0 =	seq.s32 s5, $0x0;
	s5 =	sld [smem:$0x3FA8]  }
0x2b: {  	s6 =	sld [smem:$0x3FA9]  }
0x2c: {  	s7 =	sld [smem:$0x3FAA]  }
0x2d: {  	s3 =	simm.s32 $0x108;
	s8 =	sld [smem:$0x3FAB]  }
0x2e: {  	s3 =	simm.s32 @!p0 $0x1082;
	s9 =	sld [smem:$0x3FAC]  }
0x2f: {  	lr =	sadd.s32 s0, s3;
	s0 =	sld [smem:$0x3FA3]  }
0x30: {  	s3 =	sld [smem:$0x3FA6]  }
0x31: {  	[smem:$0x3FAF] =	sst s10  }
0x32: {  	s10 =	sld [smem:$0x3FAD];
	_ =	sdelay $0x3  }
0x33: {  	p0 =	seq.s32 s10, $0x1;
	s10 =	sld [smem:$0x3FAF];
	_ =	sdelay $0x3  }
0x34: {  	[smem:$0x3FAF] =	sst s10  }
0x35: {  	s10 =	sld [smem:$0x3FAE];
	_ =	sdelay $0x3  }
0x36: {  	p1 =	seq.s32 s10, $0x1;
	s10 =	sld [smem:$0x3FAF];
	_ =	sdelay $0x3  }
0x37: {  	[smem:$0x3FAF] =	sst s10  }
0x38: {  	s10 =	sld [smem:$0x3FB0]  }
0x39: {  	_ = 	snop;
	(pc) =	sbr.ind lr, $3  }
0x3a: {  	_ = 	snop  }
0x3b: {  	_ = 	snop  }
0x3c: {  	p2 =	seq.s32 s10, $0x1;
	s10 =	sld [smem:$0x3FAF]  }
0x3d: {  	_ =	shalt  }
0x3e: {  	_ =	shalt  }
0x3f: {  	_ =	shalt  }
0x40: {  	_ =	shalt  }
0x41: {  	_ =	shalt  }
0x42: {  	_ =	shalt  }
0x43: {  	_ =	shalt  }
0x44: {  	_ =	shalt  }
0x45: {  	_ =	shalt  }
0x46: {  	_ =	shalt  }
0x47: {  	_ =	shalt  }
0x48: {  	_ =	shalt  }
0x49: {  	_ =	shalt  }
0x4a: {  	_ =	shalt  }
0x4b: {  	_ =	shalt  }
0x4c: {  	_ =	shalt  }
0x4d: {  	_ =	shalt  }
0x4e: {  	_ =	shalt  }
0x4f: {  	_ =	shalt  }
0x50: {  	_ =	shalt  }
0x51: {  	_ =	shalt  }
0x52: {  	_ =	shalt  }
0x53: {  	_ =	shalt  }
0x54: {  	_ =	shalt  }
0x55: {  	_ =	shalt  }
0x56: {  	_ =	shalt  }
0x57: {  	_ =	shalt  }
0x58: {  	_ =	shalt  }
0x59: {  	_ =	shalt  }
0x5a: {  	_ =	shalt  }
0x5b: {  	_ =	shalt  }
0x5c: {  	_ =	shalt  }
0x5d: {  	_ =	shalt  }
0x5e: {  	_ =	shalt  }
0x5f: {  	_ =	shalt  }
0x60: {  	_ =	shalt  }
0x61: {  	_ =	shalt  }
0x62: {  	_ =	shalt  }
0x63: {  	_ =	shalt  }
0x64: {  	_ =	shalt  }
0x65: {  	_ =	shalt  }
0x66: {  	_ =	shalt  }
0x67: {  	_ =	shalt  }
0x68: {  	_ =	shalt  }
0x69: {  	_ =	shalt  }
0x6a: {  	_ =	shalt  }
0x6b: {  	_ =	shalt  }
0x6c: {  	_ =	shalt  }
0x6d: {  	_ =	shalt  }
0x6e: {  	_ =	shalt  }
0x6f: {  	_ =	shalt  }
0x70: {  	_ =	shalt  }
0x71: {  	_ =	shalt  }
0x72: {  	_ =	shalt  }
0x73: {  	_ =	shalt  }
0x74: {  	_ =	shalt  }
0x75: {  	_ =	shalt  }
0x76: {  	_ =	shalt  }
0x77: {  	_ =	shalt  }
0x78: {  	_ =	shalt  }
0x79: {  	_ =	shalt  }
0x7a: {  	_ =	shalt  }
0x7b: {  	_ =	shalt  }
0x7c: {  	_ =	shalt  }
0x7d: {  	_ =	shalt  }
0x7e: {  	_ =	shalt  }
0x7f: {  	_ =	shalt  }
0x80: {  	_ =	shalt  }
0x81: {  	_ =	shalt  }
0x82: {  	_ =	shalt  }
0x83: {  	_ =	shalt  }
0x84: {  	_ =	shalt  }
0x85: {  	_ =	shalt  }
0x86: {  	_ =	shalt  }
0x87: {  	_ =	shalt  }
.Lfunc_end0:
.L_simem_size_0:
called_computation.3_lowered:
.L_overlay_start_0:
0x88: {  	s2 =	sld [smem:$0x3FD9]  }
0x89: {  	s3 =	sld [smem:$0x3FFE];
	_ =	sdelay $0x1  }
0x8a: {  	s1 =	srdreg.scid  }
0x8b: {  	s0 =	sand.u32 $0x1, s1  }
0x8c: {  	s16 =	sshll.u32 s0, $0xA;
	s2 =	sadd.s32 s3, s2  }
0x8d: {  	s2 =	sadd.s32 s2, s16  }
0x8e: {  	[smem:$0x3FBB] =	sst s2  }
0x8f: {  	_ = 	snop  }
0x90: {  	(tm) =	ssettm $0x1  }
0x91: {  	s17 =	sld [smem:$0x3FFB];
	_ =	sdelay $0x3  }
0x92: {  	_ =	strace s17  }
0x93: {  	s2 =	sld [smem:$0x3FFC];
	_ =	sdelay $0x3  }
0x94: {  	_ =	strace s2  }
0x95: {  	s2 =	sld [smem:$0x3FFD];
	_ =	sdelay $0x3  }
0x96: {  	_ =	strace s2  }
0x97: {  	_ =	strace $0x8FFFFFFF  }
0x98: {  	s18 =	sld [smem:$0x3FDB];
	_ =	sdelay $0x1  }
0x99: {  	s19 =	simm.s32 $_scs_section_size  }
0x9a: {  	s4 =	simm.s32 $_size__tile_overlayer_lowered;
	s5 =	simm.s32 $_tile_overlayer_lowered  }
0x9b: {  	s22 =	simm.s32 $0x1BFF;
	s21 =	sshll.u32 s5, $0x1;
	s2 =	sadd.s32 s19, s18  }
0x9c: {  	s6 =	simm.s32 $0x0;
	s20 =	sshll.u32 s4, $0x1;
	s4 =	sadd.s32 s21, s2  }
0x9d: {  	[timem:s6], [sflag:s22] =	dma.local [hbm:s4], s20  }
0x9e: {  	_ =	swait.ge [sflag:s22], s20  }
0x9f: {  	s3 =	ssub.s32 $0x0, s20;
	[sflag:s22] =	ssyncset.done $0x0  }
0xa0: {  	[sflag:s22] =	ssyncadd.s32 s3;
	_ =	sdelay $0x1  }
0xa1: {  	s23 =	simm.s32 $0x1B8B  }
0xa2: {  	_ =	swait.ge [sflag:s23], $0x1  }
0xa3: {  	[sflag:s23] =	ssyncset.done $0x0  }
0xa4: {  	s25 =	simm.s32 $0x1B8E;
	s24 =	sld [smem:$0x3FFE];
	[sflag:s23] =	ssyncadd.s32 $0xFFFFFFFF  }
0xa5: {  	s26 =	simm.s32 $execute0_lowered;
	[smem:$0x3FD2] =	sst s25  }
0xa6: {  	s4 =	sshll.u32 s26, $0x1;
	_ =	strace $0x8000004F;
	[dreg:$0x1] =	wrdreg $0xFFFFFFFF  }
0xa7: {  	s28 =	simm.s32 $_size_execute0_lowered;
	s2 =	sadd.s32 s2, s4;
	[dreg:$0x0] =	wrdreg $0x0  }
0xa8: {  	s4 =	sshll.u32 s28, $0x1;
	[dreg:$0x2] =	wrdreg s2  }
0xa9: {  	[dreg:$0x3] =	wrdreg s4  }
0xaa: {  	[dreg:$0x4] =	wrdreg $0xC0  }
0xab: {  	_ =	task [dreg:s6], $0x5FFFF  }
0xac: {  	[dreg:$0x1] =	wrdreg $0xFFFFFFFF  }
0xad: {  	[dreg:$0x0] =	wrdreg $0x60  }
0xae: {  	[dreg:$0x2] =	wrdreg s24  }
0xaf: {  	[dreg:$0x3] =	wrdreg $0x0  }
0xb0: {  	[dreg:$0x4] =	wrdreg $0x9  }
0xb1: {  	_ =	task.clear_ibuf [dreg:s6], $0x5FFFF;
	_ =	strace $0x9000004F  }
0xb2: {  	s29 =	simm.s32 $0x9;
	_ =	strace $0x80000051  }
0xb3: {  	_ =	swait.ge [sflag:s29], $0x1  }
0xb4: {  	[sflag:s29] =	ssyncadd.s32 $0xFFFFFFFF  }
0xb5: {  	_ =	strace $0x90000051  }
0xb6: {  	_ =	sfence  }
0xb7: {  	s30 =	sld [smem:$0x0];
	_ =	sdelay $0x2  }
0xb8: {  	s31 =	sshll.u32 s1, $0xD;
	s1 =	sshrl.u32 s1, $0x2  }
0xb9: {  	s3 =	sand.u32 $0x4000, s31;
	s1 =	sadd.s32 s1, s30  }
0xba: {  	s0 =	sor.u32 s3, s0;
	s1 =	sshll.u32 s1, $0x11  }
0xbb: {  	s0 =	sor.u32 s1, s0  }
0xbc: {  	s0 =	sadd.s32 $0x8F2B, s0  }
0xbd: {  	[sflag:s0] =	ssyncadd.remote.s32 $0x1  }
0xbe: {  	_ =	sfence.sel $0xFFFF  }
0xbf: {  	[dreg:$0x0] =	wrdreg $0xFFFFFFFF;
	(pc) =	sbr.abs _section_cstart, $3  }
0xc0: {  	[dreg:$0x1] =	wrdreg $0xFFFFFFFF  }
0xc1: {  	_ =	task.clear_ibuf [dreg:s6], $0x2FFFF;
	_ =	strace $0x9FFFFFFF  }
0xc2: {  	(tm) =	ssettm $0x7FFFFFFF  }
0xc3: {  	_ =	shalt  }
tec
execute0_lowered:
.L_overlay_start_1:
0x0: {  	(tag) =	ssettag $0x1  }
0x1: {  	s4 =	rddreg [dreg:$0x0]  }
0x2: {  	s2 =	rddreg [dreg:$0x1]  }
0x3: {  	s0 =	rddreg [dreg:$0x2];
	s3 =	simm.s32 $0x0;
	s1 =	stileid.u32  }
0x4: {  	s6 =	srdreg.scid;
	s18 =	simm.s32 $0x5EA8;
	s5 =	smul.u32 $0x4E20, s1  }
0x5: {  	s19 =	simm.s32 $0x8;
	s20 =	simm.s32 $0x0;
	s23 =	smul.u32 $0x9C4, s1  }
0x6: {  	[smem:$0x7FF] =	sst s3;
	s8 =	sand.u32 $0x1, s6;
	s14 =	smul.u32 $0x2710, s1  }
0x7: {  	s9 =	sadd.s32 $0x5BE00, s4;
	s11 =	sadd.s32 $0x8A00, s4;
	s16 =	smul.u32 $0x9C40, s1  }
0x8: {  	s12 =	sshll.u32 s1, $0x1;
	s29 =	sshll.u32 s1, $0x6;
	s10 =	smul.u32 $0x9C40, s8  }
0x9: {  	_ =	strace $0x80000050;
	s24 =	ssub.s32 $0x2, s8;
	s15 =	smul.u32 $0x1388, s8  }
0xa: {  	s12 =	sor.u32 s8, s12;
	s17 =	smul.u32 $0x4E20, s8;
	s7 =	sshrl.u32 s5, $0x3  }
0xb: {  	s25 =	sshrl.u32 s24, $0x1;
	s26 =	smul.u32 $0x1388, s12;
	s28 =	sadd.s32 s5, s2  }
0xc: {  	s5 =	sor.u32 $0x1C01, s29;
	s31 =	sadd.s32 s16, s9;
	s16 =	simm.s32 $0x80  }
0xd: {  	s7 =	sadd.s32 s7, s4;
	s6 =	sadd.s32 s23, s10;
	s10 =	ssub.s32 s24, s25  }
0xe: {  	s14 =	sadd.s32 s15, s14;
	s12 =	sshrl.u32 s28, $0x3;
	s15 =	simm.s32 $0x4EA0  }
0xf: {  	s13 =	sadd.s32 s6, s4;
	s4 =	sadd.s32 $0xF8200, s7;
	s30 =	sadd.s32 $0x1380, s26  }
0x10: {  	s14 =	sshrl.u32 s14, $0x3;
	s6 =	sshrl.u32 s30, $0x3;
	s7 =	sshll.u32 s30, $0x2  }
0x11: {  	s8 =	sadd.s32 $0x102000, s13;
	s13 =	simm.s32 $0x1;
	s6 =	sadd.s32 s11, s6  }
0x12: {  	s7 =	sadd.s32 s9, s7;
	s9 =	smax.u32 s10, $0x1;
	s10 =	sadd.s32 s17, s31  }
0x13: {  	s11 =	sadd.s32 s14, s11;
	s14 =	simm.s32 $0x4E20;
	s17 =	simm.s32 $0x5EA0  }
.LBB2_1:
0x14: {  	[spmem:s12], [sflag:s5] =	dma.local [hbm:s4], $0x9C4  }
0x15: {  	_ =	swait.ge [sflag:s13], $0x9C4  }
0x16: {  	[sflag:s13] =	ssyncset.done $0x0  }
0x17: {  	[sflag:s13] =	ssyncadd.s32 $0xFFFFF63C  }
0x18: {  	s21 =	sadd.s32 $0x0, s11;
	[bflag:$0x0] =	sbarrier.arrive $0xFFFF  }
0x19: {  	[tilespmem:s14], [sflag:$0x1] =	stream.linear.gather [hbm4b:s21+s3], $0x80, $0x38;
	[tilespmem:$0x5FA8] =	vst v63  }
0x1a: {  	_ =	swait.ge [sflag:s13], $0x80  }
0x1b: {  	[sflag:s13] =	ssyncset.done $0x0  }
0x1c: {  	[sflag:s13] =	ssyncadd.s32 $0xFFFFFF80  }
0x1d: {  	[tilespmem:s15], [sflag:$0x1] =	stream.linear.gather [hbm4b:s10+s3], $0x1000, $0x38;
	[tilespmem:$0x5FA8] =	vst v63  }
0x1e: {  	_ =	swait.ge [sflag:s13], $0x1000  }
0x1f: {  	[sflag:s13] =	ssyncset.done $0x0  }
0x20: {  	[sflag:s13] =	ssyncadd.s32 $0xFFFFF000  }
0x21: {  	[spmem:s2] =	stream.indirect.scatter.add.f32 [tilespmem:s15], [sflag:$0x1], $0x20, s14, s16, $0xb8;
	[tilespmem:$0x5FA8] =	vst v63  }
0x22: {  	s22 =	simm.s32 $0x10;
	_ =	swait.ge [sflag:s13], $0x1000  }
0x23: {  	s23 =	simm.s32 $0x20;
	s21 =	sadd.s32 $0x200, s10;
	[sflag:s13] =	ssyncset.done $0x0  }
.LBB2_2:
0x24: {  	s24 =	sadd.s32 s22, s11  }
0x25: {  	[sflag:s13] =	ssyncadd.s32 $0xFFFFF000;
	s22 =	smov.u32 s23;
	s25 =	sadd.s32 $0x10, s23  }
0x26: {  	[tilespmem:s14], [sflag:$0x1] =	stream.linear.gather [hbm4b:s24+s3], $0x80, $0x38;
	[tilespmem:$0x5FA8] =	vst v63  }
0x27: {  	p0 =	sne.s32 s23, $0x260;
	_ =	swait.ge [sflag:s13], $0x80  }
0x28: {  	[sflag:s13] =	ssyncset.done $0x0  }
0x29: {  	[sflag:s13] =	ssyncadd.s32 $0xFFFFFF80  }
0x2a: {  	[tilespmem:s15], [sflag:$0x1] =	stream.linear.gather [hbm4b:s21+s3], $0x1000, $0x38;
	[tilespmem:$0x5FA8] =	vst v63  }
0x2b: {  	_ =	swait.ge [sflag:s13], $0x1000  }
.Ltmp0:
0x2c: {  	[sflag:s13] =	ssyncset.done $0x0;
	(pc) =	sbr.rel @p0 .LBB2_2-.Ltmp0, $4  }
0x2d: {  	[sflag:s13] =	ssyncadd.s32 $0xFFFFF000  }
0x2e: {  	[spmem:s2] =	stream.indirect.scatter.add.f32 [tilespmem:s15], [sflag:$0x1], $0x20, s14, s16, $0xb8;
	[tilespmem:$0x5FA8] =	vst v63  }
0x2f: {  	_ =	swait.ge [sflag:s13], $0x1000  }
0x30: {  	s23 =	smov.u32 s25;
	s21 =	sadd.s32 $0x200, s21;
	[sflag:s13] =	ssyncset.done $0x0  }
0x31: {  	s22 =	sadd.s32 s22, s11;
	[sflag:s13] =	ssyncadd.s32 $0xFFFFF000  }
0x32: {  	[tilespmem:s14], [sflag:$0x1] =	stream.linear.gather [hbm4b:s22+s3], $0x80, $0x38;
	[tilespmem:$0x5FA8] =	vst v63  }
0x33: {  	_ =	swait.ge [sflag:s13], $0x80  }
0x34: {  	[sflag:s13] =	ssyncset.done $0x0  }
0x35: {  	[sflag:s13] =	ssyncadd.s32 $0xFFFFFF80  }
0x36: {  	[tilespmem:s15], [sflag:$0x1] =	stream.linear.gather [hbm4b:s21+s3], $0x1000, $0x38;
	[tilespmem:$0x5FA8] =	vst v63  }
0x37: {  	_ =	swait.ge [sflag:s13], $0x1000  }
0x38: {  	[sflag:s13] =	ssyncset.done $0x0  }
0x39: {  	[sflag:s13] =	ssyncadd.s32 $0xFFFFF000  }
0x3a: {  	[spmem:s2] =	stream.indirect.scatter.add.f32 [tilespmem:s15], [sflag:$0x1], $0x20, s14, s16, $0xb8;
	[tilespmem:$0x5FA8] =	vst v63  }
0x3b: {  	_ =	swait.ge [sflag:s13], $0x1000  }
0x3c: {  	[sflag:s13] =	ssyncset.done $0x0  }
0x3d: {  	[sflag:s13] =	ssyncadd.s32 $0xFFFFF000  }
0x3e: {  	[tilespmem:s17], [sflag:$0x1] =	stream.linear.gather [hbm4b:s6+s3], $0x8, $0x38;
	[tilespmem:$0x5FA8] =	vst v63  }
0x3f: {  	_ =	swait.ge [sflag:s13], $0x8  }
0x40: {  	[sflag:s13] =	ssyncset.done $0x0  }
0x41: {  	[sflag:s13] =	ssyncadd.s32 $0xFFFFFFF8  }
0x42: {  	[tilespmem:s18], [sflag:$0x1] =	stream.linear.gather [hbm4b:s7+s3], $0x100, $0x38;
	[tilespmem:$0x5FA8] =	vst v63  }
0x43: {  	_ =	swait.ge [sflag:s13], $0x100  }
0x44: {  	[sflag:s13] =	ssyncset.done $0x0  }
0x45: {  	[sflag:s13] =	ssyncadd.s32 $0xFFFFFF00  }
0x46: {  	[spmem:s2] =	stream.indirect.scatter.add.f32 [tilespmem:s18], [sflag:$0x1], $0x20, s17, s19, $0xb8;
	[tilespmem:$0x5FA8] =	vst v63  }
0x47: {  	_ =	swait.ge [sflag:s13], $0x100  }
0x48: {  	s20 =	sadd.s32 $0x1, s20;
	[sflag:s13] =	ssyncset.done $0x0  }
0x49: {  	p0 =	sne.s32 s20, s9;
	[sflag:s13] =	ssyncadd.s32 $0xFFFFFF00  }
.Ltmp1:
0x4a: {  	[bflag:$0x0] =	sbarrier.arrive $0xFFFF;
	(pc) =	sbr.rel @p0 .LBB2_1-.Ltmp1, $4  }
0x4b: {  	[hbm:s8], [sflag:s5] =	dma.local [spmem:s12], $0x9C4  }
0x4c: {  	_ =	swait.ge [sflag:s13], $0x9C4  }
0x4d: {  	[sflag:s13] =	ssyncset.done $0x0  }
0x4e: {  	[sflag:s13] =	ssyncadd.s32 $0xFFFFF63C  }
0x4f: {  	_ =	sfence.sel $0x180000  }
0x50: {  	[bflag:$0x0] =	sbarrier.arrive $0xFFFF  }
0x51: {  	p0 =	sne.s32 s1, $0x0;
	_ =	strace $0x90000050  }
0x52: {  	s0 =	sadd.s32 @!p0 $0x100000, s0;
	[bflag:$0x2] =	sbarrier.arrive $0xFFFF  }
0x53: {  	[sflag:s0] =	ssyncadd.tile.s32 @!p0 $0x1;
	_ =	shalt  }
.Lfunc_end2:
_tile_overlayer_lowered:
.L_overlay_start_2:
0x54: {  	(tag) =	ssettag $0x2  }
0x55: {  	s0 =	rddreg [dreg:$0x0];
	s2 =	stileid.u32  }
0x56: {  	s1 =	rddreg [dreg:$0x1];
	p0 =	sne.s32 s2, $0x0  }
0x57: {  	s3 =	rddreg [dreg:$0x2];
	[bflag:$0x3] =	sbarrier.arrive $0xFFFF;
	s2 =	simm.s32 @!p0 $0x1C01  }
0x58: {  	[timem:s3], [sflag:s2] =	dma.local @!p0 [hbm:s0], s1  }
0x59: {  	s0 =	simm.s32 @!p0 $0x1  }
0x5a: {  	_ =	swait.ge @!p0 [sflag:s0], s1  }
0x5b: {  	s1 =	ssub.s32 @!p0 $0x0, s1;
	[sflag:s0] =	ssyncset.done @!p0 $0x0  }
0x5c: {  	[sflag:s0] =	ssyncadd.s32 @!p0 s1  }
0x5d: {  	[bflag:$0x3] =	sbarrier.arrive $0xFFFF  }
0x5e: {  	_ =	shalt  }

</sc_bundles>
